<compile_context>
chip_gen: v7x
topology: tpu7x:2x2x1
jax: 0.10.2.dev20260603
libtpu: 0.0.44.dev20260713+nightly
codegen_flags: <defaults>
</compile_context>

<pallas_src>
import functools

import jax
import jax.numpy as jnp
from jax import lax
from jax.experimental import pallas as pl
from jax.experimental.pallas import tpu as pltpu
from jax.experimental.pallas import tpu_sc as plsc

NEG_SLOPE = 0.01
EPS_BN = 1e-5
LANES = 16


def _sc_gather(xyz_t, idx_flat, K):
    B, _, N = xyz_t.shape
    NK = idx_flat.shape[1]
    info = plsc.get_sparse_core_info()
    NC, NS = info.num_cores, info.num_subcores
    NW = NC * NS
    EW = NK // NW
    assert NK % (NW * LANES) == 0 and EW % 8 == 0
    shift = K.bit_length() - 1
    assert K == 1 << shift

    mesh = plsc.VectorSubcoreMesh(core_axis_name="c", subcore_axis_name="s")

    @functools.partial(
        pl.kernel,
        mesh=mesh,
        compiler_params=pltpu.CompilerParams(needs_layout_passes=False),
        out_type=jax.ShapeDtypeStruct((B * 6 * NK,), jnp.float32),
        scratch_types=[
            pltpu.VMEM((N,), jnp.float32),
            pltpu.VMEM((N,), jnp.float32),
            pltpu.VMEM((N,), jnp.float32),
            pltpu.VMEM((EW,), jnp.int32),
            pltpu.VMEM((EW,), jnp.float32),
            pltpu.VMEM((EW,), jnp.float32),
            pltpu.VMEM((EW,), jnp.float32),
            pltpu.VMEM((EW,), jnp.float32),
            pltpu.VMEM((EW,), jnp.float32),
            pltpu.VMEM((EW,), jnp.float32),
        ],
    )
    def k(xyz_hbm, idx_hbm, out_hbm, x_v, y_v, z_v, idx_v,
          px_v, py_v, pz_v, qx_v, qy_v, qz_v):
        wid = lax.axis_index("s") * NC + lax.axis_index("c")
        base = wid * EW
        lane = lax.iota(jnp.int32, LANES)
        for b in range(B):
            pltpu.sync_copy(idx_hbm.at[pl.ds(b * NK + base, EW)], idx_v)
            pltpu.sync_copy(xyz_hbm.at[pl.ds((b * 3 + 0) * N, N)], x_v)
            pltpu.sync_copy(xyz_hbm.at[pl.ds((b * 3 + 1) * N, N)], y_v)
            pltpu.sync_copy(xyz_hbm.at[pl.ds((b * 3 + 2) * N, N)], z_v)

            @plsc.parallel_loop(0, EW, LANES, unroll=8)
            def body(off):
                iv = idx_v[pl.ds(off, LANES)]
                pv = lax.shift_right_logical(lane + (base + off), shift)
                px_v[pl.ds(off, LANES)] = plsc.load_gather(x_v, [pv])
                py_v[pl.ds(off, LANES)] = plsc.load_gather(y_v, [pv])
                pz_v[pl.ds(off, LANES)] = plsc.load_gather(z_v, [pv])
                qx_v[pl.ds(off, LANES)] = plsc.load_gather(x_v, [iv])
                qy_v[pl.ds(off, LANES)] = plsc.load_gather(y_v, [iv])
                qz_v[pl.ds(off, LANES)] = plsc.load_gather(z_v, [iv])
            pltpu.sync_copy(px_v, out_hbm.at[pl.ds((b * 6 + 0) * NK + base, EW)])
            pltpu.sync_copy(py_v, out_hbm.at[pl.ds((b * 6 + 1) * NK + base, EW)])
            pltpu.sync_copy(pz_v, out_hbm.at[pl.ds((b * 6 + 2) * NK + base, EW)])
            pltpu.sync_copy(qx_v, out_hbm.at[pl.ds((b * 6 + 3) * NK + base, EW)])
            pltpu.sync_copy(qy_v, out_hbm.at[pl.ds((b * 6 + 4) * NK + base, EW)])
            pltpu.sync_copy(qz_v, out_hbm.at[pl.ds((b * 6 + 5) * NK + base, EW)])

    return k(xyz_t.reshape(B * 3 * N), idx_flat.reshape(B * NK)).reshape(2 * B, 3, NK)


def _z8(p_ref, q_ref, BLK):
    P = p_ref[0]
    Q = q_ref[0]
    rel = P - Q
    s = jnp.sum(rel * rel, axis=0, keepdims=True)
    dist = s * lax.rsqrt(s + 1e-30)
    ones = jnp.ones((1, BLK), jnp.float32)
    return jnp.concatenate([P, Q, dist, ones], axis=0)


def _tc_stats(pq, W8, g2, be2, B, BLK, T):
    NK = pq.shape[2]
    inv_cnt = 1.0 / float(B * NK)

    def body(p_ref, q_ref, w_ref, g_ref, be_ref, wp_ref, m_ref):
        b, t = pl.program_id(0), pl.program_id(1)
        Z = _z8(p_ref, q_ref, BLK)
        m = lax.dot_general(Z, Z, (((1,), (1,)), ((), ())),
                            preferred_element_type=jnp.float32)

        @pl.when((b == 0) & (t == 0))
        def _():
            m_ref[...] = jnp.zeros_like(m_ref)

        m_ref[...] += m

        @pl.when((b == B - 1) & (t == T - 1))
        def _():
            w8 = w_ref[...]
            wm = jnp.dot(w8, m_ref[...], preferred_element_type=jnp.float32,
                         precision=lax.Precision.HIGHEST)
            mean = wm[:, 7:8] * inv_cnt
            ey2 = jnp.sum(wm * w8, axis=1, keepdims=True) * inv_cnt
            var = ey2 - mean * mean
            scale = g_ref[...] / jnp.sqrt(var + EPS_BN)
            shift = be_ref[...] - scale * mean
            col = lax.broadcasted_iota(jnp.int32, (16, 8), 1)
            wp_ref[...] = scale * w8 + jnp.where(col == 7, shift, 0.0)

    return pl.pallas_call(
        body,
        grid=(B, T),
        in_specs=[
            pl.BlockSpec((1, 3, BLK), lambda b, t: (2 * b, 0, t)),
            pl.BlockSpec((1, 3, BLK), lambda b, t: (2 * b + 1, 0, t)),
            pl.BlockSpec((16, 8), lambda b, t: (0, 0)),
            pl.BlockSpec((16, 1), lambda b, t: (0, 0)),
            pl.BlockSpec((16, 1), lambda b, t: (0, 0)),
        ],
        out_specs=pl.BlockSpec((16, 8), lambda b, t: (0, 0)),
        out_shape=jax.ShapeDtypeStruct((16, 8), jnp.float32),
        scratch_shapes=[pltpu.VMEM((8, 8), jnp.float32)],
    )(pq, pq, W8, g2, be2)


def _tc_emit(pq, W8p, B, BLK, T):
    NK = pq.shape[2]

    def body(p_ref, q_ref, w_ref, o_ref):
        Z = _z8(p_ref, q_ref, BLK)
        yn = jnp.dot(w_ref[...], Z, preferred_element_type=jnp.float32)
        o_ref[0] = jnp.maximum(yn, NEG_SLOPE * yn)

    return pl.pallas_call(
        body,
        grid=(B, T),
        in_specs=[
            pl.BlockSpec((1, 3, BLK), lambda b, t: (2 * b, 0, t)),
            pl.BlockSpec((1, 3, BLK), lambda b, t: (2 * b + 1, 0, t)),
            pl.BlockSpec((16, 8), lambda b, t: (0, 0)),
        ],
        out_specs=pl.BlockSpec((1, 16, BLK), lambda b, t: (b, 0, t)),
        out_shape=jax.ShapeDtypeStruct((B, 16, NK), jnp.float32),
    )(pq, pq, W8p)


def kernel(xyz_t, neighbor_idx, W, b, gamma, beta):
    B, _, N = xyz_t.shape
    K = neighbor_idx.shape[-1]
    NK = N * K
    idx_flat = neighbor_idx.reshape(B, NK).astype(jnp.int32)

    pq = _sc_gather(xyz_t, idx_flat, K)

    BLK = 64000
    assert NK % BLK == 0
    T = NK // BLK

    W8 = jnp.concatenate(
        [W[:, 1:4] + W[:, 4:7], W[:, 7:10] - W[:, 1:4], W[:, 0:1],
         b.reshape(16, 1)], axis=1)

    g2 = gamma.reshape(16, 1)
    be2 = beta.reshape(16, 1)
    W8p = _tc_stats(pq, W8, g2, be2, B, BLK, T)
    return _tc_emit(pq, W8p, B, BLK, T)

# --- scband reference (transcript-rebuilt; emitter-appended) ---
"""Pipeline reference for scband-loc-se-54528904790898 (READ-ONLY COPY).

The authoritative reference and input builder live on the scoring server;
editing this copy changes nothing except your own understanding.
"""

import jax, jax.numpy as jnp
import numpy as np

NEG_SLOPE = 0.01
EPS_BN = 1e-5


def setup_inputs(seed: int = 0) -> dict:
    key = jax.random.key(seed)
    k1, k2, k3, k4 = jax.random.split(key, 4)
    B, N, K = 4, 10000, 32
    d_in, d_hid = 10, 16  # rel_pos_dim, d_out // 2
    xyz_t = jax.random.normal(k1, (B, 3, N), dtype=jnp.float32)
    neighbor_idx = jax.random.randint(k2, (B, N, K), 0, N)
    bound = 1.0 / np.sqrt(d_in)
    W = jax.random.uniform(k3, (d_hid, d_in), dtype=jnp.float32, minval=-bound, maxval=bound)
    b = jax.random.uniform(k4, (d_hid,), dtype=jnp.float32, minval=-bound, maxval=bound)
    gamma = jnp.ones((d_hid,), dtype=jnp.float32)
    beta = jnp.zeros((d_hid,), dtype=jnp.float32)
    return {"xyz_t": xyz_t, "neighbor_idx": neighbor_idx, "W": W, "b": b, "gamma": gamma, "beta": beta}


def _safe_sqrt(s):
    # identical forward values to sqrt; avoids nan grads at s==0
    d = jnp.sqrt(jnp.where(s > 0, s, 1.0))
    return jnp.where(s > 0, d, 0.0)


def reference(xyz_t, neighbor_idx, W, b, gamma, beta):
    B, d, N = xyz_t.shape
    K = neighbor_idx.shape[-1]
    idx = neighbor_idx.reshape(B, 1, N * K)
    # gather_neighbor: [B, d, N*K], point-major flattening (n*K + k)
    neighbor_xyz = jnp.take_along_axis(xyz_t, jnp.broadcast_to(idx, (B, d, N * K)), axis=2)
    # xyz_t.repeat(1,K,1).permute(0,2,1).reshape(B,-1,d).permute(0,2,1) == repeat each point K consecutive times
    xyz_tiled = jnp.repeat(xyz_t, K, axis=2)
    rel = xyz_tiled - neighbor_xyz
    s = jnp.sum(rel * rel, axis=1, keepdims=True)
    dist = _safe_sqrt(s)
    feat = jnp.concatenate([dist, rel, xyz_tiled, neighbor_xyz], axis=1)  # [B, 10, N*K]
    # Conv1d(kernel_size=1)
    y = jnp.einsum('oc,bcn->bon', W, feat) + b[None, :, None]
    # BatchNorm1d in training mode (batch statistics, biased variance)
    mean = jnp.mean(y, axis=(0, 2), keepdims=True)
    var = jnp.mean((y - mean) ** 2, axis=(0, 2), keepdims=True)
    yn = (y - mean) / jnp.sqrt(var + EPS_BN)
    yn = yn * gamma[None, :, None] + beta[None, :, None]
    # LeakyReLU(0.01)
    return jnp.where(yn > 0, yn, NEG_SLOPE * yn)

if __name__ == "__main__":
    import jax
    _d = setup_inputs()
    print(jax.jit(kernel)(*tuple(_d.values())))

</pallas_src>

<mosaic_0001>
#map = affine_map<(d0, d1) -> (0)>
module attributes {stable_mosaic.version = 14 : i64} {
  func.func @k(%arg0: i32, %arg1: i32, %arg2: memref<120000xf32, #tpu.memory_space<hbm>>, %arg3: memref<1280000xi32, #tpu.memory_space<hbm>>, %arg4: memref<7680000xf32, #tpu.memory_space<hbm>>, %arg5: memref<10000xf32, #tpu.memory_space<vmem>>, %arg6: memref<10000xf32, #tpu.memory_space<vmem>>, %arg7: memref<10000xf32, #tpu.memory_space<vmem>>, %arg8: memref<10000xi32, #tpu.memory_space<vmem>>, %arg9: memref<10000xf32, #tpu.memory_space<vmem>>, %arg10: memref<10000xf32, #tpu.memory_space<vmem>>, %arg11: memref<10000xf32, #tpu.memory_space<vmem>>, %arg12: memref<10000xf32, #tpu.memory_space<vmem>>, %arg13: memref<10000xf32, #tpu.memory_space<vmem>>, %arg14: memref<10000xf32, #tpu.memory_space<vmem>>) attributes {dimension_semantics = [#tpu.dimension_semantics<core_parallel>, #tpu.dimension_semantics<subcore_parallel>], iteration_bounds = array<i64: 2, 16>, scalar_prefetch = 0 : i64, scratch_operands = 10 : i64, tpu.core_type = #tpu.core_type<sc_vector_subcore>, window_params = [{transform_indices = #map}, {transform_indices = #map}, {transform_indices = #map}]} {
    %mul3A = arith.constant 2 : i32
    %mul3A_0 = arith.muli %arg1, %mul3A : i32
    %add3A = arith.addi %mul3A_0, %arg0 : i32
    %mul3A_1 = arith.constant 10000 : i32
    %mul3A_2 = arith.muli %add3A, %mul3A_1 : i32
    %iota3A = tpu.iota {dimensions = array<i32: 0>} : vector<16xi32>
    %add3A_3 = arith.constant 0 : i32
    %add3A_4 = arith.addi %add3A_3, %mul3A_2 : i32
    "tpu.region"() ({
      %run_scoped3A = tpu.sem_alloc : memref<!tpu.dma_semaphore, #tpu.memory_space<semaphore_mem>>
      %dma_start3A = tpu.memref_slice %arg3[%add3A_4] : memref<1280000xi32, #tpu.memory_space<hbm>> -> memref<10000xi32, #tpu.memory_space<hbm>>
      %dma_start3A_70 = tpu.memref_slice %arg3[%add3A_4] : memref<1280000xi32, #tpu.memory_space<hbm>> -> memref<10000xi32, #tpu.memory_space<hbm>>
      tpu.enqueue_dma source(%dma_start3A_70 : memref<10000xi32, #tpu.memory_space<hbm>>) target(%arg8 : memref<10000xi32, #tpu.memory_space<vmem>>) target_semaphore(%run_scoped3A : memref<!tpu.dma_semaphore, #tpu.memory_space<semaphore_mem>>)
      %dma_wait3A = tpu.memref_slice %arg3[%add3A_4] : memref<1280000xi32, #tpu.memory_space<hbm>> -> memref<10000xi32, #tpu.memory_space<hbm>>
      %dma_wait3A_71 = tpu.memref_slice %arg3[%add3A_4] : memref<1280000xi32, #tpu.memory_space<hbm>> -> memref<10000xi32, #tpu.memory_space<hbm>>
      tpu.wait_dma2 semaphore(%run_scoped3A : memref<!tpu.dma_semaphore, #tpu.memory_space<semaphore_mem>>) src(%dma_wait3A_71 : memref<10000xi32, #tpu.memory_space<hbm>>) dst(%arg8 : memref<10000xi32, #tpu.memory_space<vmem>>)
      tpu.yield
    }) : () -> ()
    "tpu.region"() ({
      %run_scoped3A = tpu.sem_alloc : memref<!tpu.dma_semaphore, #tpu.memory_space<semaphore_mem>>
      %dma_start3A = arith.constant 0 : i32
      %dma_start3A_70 = tpu.memref_slice %arg2[%dma_start3A] : memref<120000xf32, #tpu.memory_space<hbm>> -> memref<10000xf32, #tpu.memory_space<hbm>>
      %dma_start3A_71 = arith.constant 0 : i32
      %dma_start3A_72 = tpu.memref_slice %arg2[%dma_start3A_71] : memref<120000xf32, #tpu.memory_space<hbm>> -> memref<10000xf32, #tpu.memory_space<hbm>>
      tpu.enqueue_dma source(%dma_start3A_72 : memref<10000xf32, #tpu.memory_space<hbm>>) target(%arg5 : memref<10000xf32, #tpu.memory_space<vmem>>) target_semaphore(%run_scoped3A : memref<!tpu.dma_semaphore, #tpu.memory_space<semaphore_mem>>)
      %dma_wait3A = arith.constant 0 : i32
      %dma_wait3A_73 = tpu.memref_slice %arg2[%dma_wait3A] : memref<120000xf32, #tpu.memory_space<hbm>> -> memref<10000xf32, #tpu.memory_space<hbm>>
      %dma_wait3A_74 = arith.constant 0 : i32
      %dma_wait3A_75 = tpu.memref_slice %arg2[%dma_wait3A_74] : memref<120000xf32, #tpu.memory_space<hbm>> -> memref<10000xf32, #tpu.memory_space<hbm>>
      tpu.wait_dma2 semaphore(%run_scoped3A : memref<!tpu.dma_semaphore, #tpu.memory_space<semaphore_mem>>) src(%dma_wait3A_75 : memref<10000xf32, #tpu.memory_space<hbm>>) dst(%arg5 : memref<10000xf32, #tpu.memory_space<vmem>>)
      tpu.yield
    }) : () -> ()
    "tpu.region"() ({
      %run_scoped3A = tpu.sem_alloc : memref<!tpu.dma_semaphore, #tpu.memory_space<semaphore_mem>>
      %dma_start3A = arith.constant 10000 : i32
      %dma_start3A_70 = tpu.memref_slice %arg2[%dma_start3A] : memref<120000xf32, #tpu.memory_space<hbm>> -> memref<10000xf32, #tpu.memory_space<hbm>>
      %dma_start3A_71 = arith.constant 10000 : i32
      %dma_start3A_72 = tpu.memref_slice %arg2[%dma_start3A_71] : memref<120000xf32, #tpu.memory_space<hbm>> -> memref<10000xf32, #tpu.memory_space<hbm>>
      tpu.enqueue_dma source(%dma_start3A_72 : memref<10000xf32, #tpu.memory_space<hbm>>) target(%arg6 : memref<10000xf32, #tpu.memory_space<vmem>>) target_semaphore(%run_scoped3A : memref<!tpu.dma_semaphore, #tpu.memory_space<semaphore_mem>>)
      %dma_wait3A = arith.constant 10000 : i32
      %dma_wait3A_73 = tpu.memref_slice %arg2[%dma_wait3A] : memref<120000xf32, #tpu.memory_space<hbm>> -> memref<10000xf32, #tpu.memory_space<hbm>>
      %dma_wait3A_74 = arith.constant 10000 : i32
      %dma_wait3A_75 = tpu.memref_slice %arg2[%dma_wait3A_74] : memref<120000xf32, #tpu.memory_space<hbm>> -> memref<10000xf32, #tpu.memory_space<hbm>>
      tpu.wait_dma2 semaphore(%run_scoped3A : memref<!tpu.dma_semaphore, #tpu.memory_space<semaphore_mem>>) src(%dma_wait3A_75 : memref<10000xf32, #tpu.memory_space<hbm>>) dst(%arg6 : memref<10000xf32, #tpu.memory_space<vmem>>)
      tpu.yield
    }) : () -> ()
    "tpu.region"() ({
      %run_scoped3A = tpu.sem_alloc : memref<!tpu.dma_semaphore, #tpu.memory_space<semaphore_mem>>
      %dma_start3A = arith.constant 20000 : i32
      %dma_start3A_70 = tpu.memref_slice %arg2[%dma_start3A] : memref<120000xf32, #tpu.memory_space<hbm>> -> memref<10000xf32, #tpu.memory_space<hbm>>
      %dma_start3A_71 = arith.constant 20000 : i32
      %dma_start3A_72 = tpu.memref_slice %arg2[%dma_start3A_71] : memref<120000xf32, #tpu.memory_space<hbm>> -> memref<10000xf32, #tpu.memory_space<hbm>>
      tpu.enqueue_dma source(%dma_start3A_72 : memref<10000xf32, #tpu.memory_space<hbm>>) target(%arg7 : memref<10000xf32, #tpu.memory_space<vmem>>) target_semaphore(%run_scoped3A : memref<!tpu.dma_semaphore, #tpu.memory_space<semaphore_mem>>)
      %dma_wait3A = arith.constant 20000 : i32
      %dma_wait3A_73 = tpu.memref_slice %arg2[%dma_wait3A] : memref<120000xf32, #tpu.memory_space<hbm>> -> memref<10000xf32, #tpu.memory_space<hbm>>
      %dma_wait3A_74 = arith.constant 20000 : i32
      %dma_wait3A_75 = tpu.memref_slice %arg2[%dma_wait3A_74] : memref<120000xf32, #tpu.memory_space<hbm>> -> memref<10000xf32, #tpu.memory_space<hbm>>
      tpu.wait_dma2 semaphore(%run_scoped3A : memref<!tpu.dma_semaphore, #tpu.memory_space<semaphore_mem>>) src(%dma_wait3A_75 : memref<10000xf32, #tpu.memory_space<hbm>>) dst(%arg7 : memref<10000xf32, #tpu.memory_space<vmem>>)
      tpu.yield
    }) : () -> ()
    %parallel_loop3A = arith.constant 0 : i32
    %parallel_loop3A_5 = arith.constant 10000 : i32
    %parallel_loop3A_6 = arith.constant 16 : i32
    scf.for %parallel_loop3A_70 = %parallel_loop3A to %parallel_loop3A_5 step %parallel_loop3A_6  : i32 {
      %parallel_loop3A_71 = arith.index_cast %parallel_loop3A_70 : i32 to index
      %parallel_loop3A_72 = tpu.vector_load %arg8[%parallel_loop3A_71] {strides = array<i32>} : memref<10000xi32, #tpu.memory_space<vmem>>, vector<16xi32>,
      %parallel_loop3A_73 = arith.addi %mul3A_2, %parallel_loop3A_70 : i32
      %parallel_loop3A_74 = vector.broadcast %parallel_loop3A_73 : i32 to vector<16xi32>
      %parallel_loop3A_75 = arith.addi %iota3A, %parallel_loop3A_74 : vector<16xi32>
      %parallel_loop3A_76 = arith.constant 5 : i32
      %parallel_loop3A_77 = vector.broadcast %parallel_loop3A_76 : i32 to vector<16xi32>
      %parallel_loop3A_78 = arith.shrui %parallel_loop3A_75, %parallel_loop3A_77 : vector<16xi32>
      %parallel_loop3A_79 = tpu.vector_load_idx %arg5[%parallel_loop3A_78] : memref<10000xf32, #tpu.memory_space<vmem>>[vector<16xi32>], vector<16xf32>,
      %parallel_loop3A_80 = arith.index_cast %parallel_loop3A_70 : i32 to index
      %parallel_loop3A_81 = tpu.vector_load %arg9[%parallel_loop3A_80] {strides = array<i32>} : memref<10000xf32, #tpu.memory_space<vmem>>, vector<16xf32>,
      tpu.vector_store %arg9[%parallel_loop3A_80], %parallel_loop3A_79 {strides = array<i32>} : memref<10000xf32, #tpu.memory_space<vmem>>, vector<16xf32>,
      %parallel_loop3A_82 = tpu.vector_load_idx %arg6[%parallel_loop3A_78] : memref<10000xf32, #tpu.memory_space<vmem>>[vector<16xi32>], vector<16xf32>,
      %parallel_loop3A_83 = arith.index_cast %parallel_loop3A_70 : i32 to index
      %parallel_loop3A_84 = tpu.vector_load %arg10[%parallel_loop3A_83] {strides = array<i32>} : memref<10000xf32, #tpu.memory_space<vmem>>, vector<16xf32>,
      tpu.vector_store %arg10[%parallel_loop3A_83], %parallel_loop3A_82 {strides = array<i32>} : memref<10000xf32, #tpu.memory_space<vmem>>, vector<16xf32>,
      %parallel_loop3A_85 = tpu.vector_load_idx %arg7[%parallel_loop3A_78] : memref<10000xf32, #tpu.memory_space<vmem>>[vector<16xi32>], vector<16xf32>,
      %parallel_loop3A_86 = arith.index_cast %parallel_loop3A_70 : i32 to index
      %parallel_loop3A_87 = tpu.vector_load %arg11[%parallel_loop3A_86] {strides = array<i32>} : memref<10000xf32, #tpu.memory_space<vmem>>, vector<16xf32>,
      tpu.vector_store %arg11[%parallel_loop3A_86], %parallel_loop3A_85 {strides = array<i32>} : memref<10000xf32, #tpu.memory_space<vmem>>, vector<16xf32>,
      %parallel_loop3A_88 = tpu.vector_load_idx %arg5[%parallel_loop3A_72] : memref<10000xf32, #tpu.memory_space<vmem>>[vector<16xi32>], vector<16xf32>,
      %parallel_loop3A_89 = arith.index_cast %parallel_loop3A_70 : i32 to index
      %parallel_loop3A_90 = tpu.vector_load %arg12[%parallel_loop3A_89] {strides = array<i32>} : memref<10000xf32, #tpu.memory_space<vmem>>, vector<16xf32>,
      tpu.vector_store %arg12[%parallel_loop3A_89], %parallel_loop3A_88 {strides = array<i32>} : memref<10000xf32, #tpu.memory_space<vmem>>, vector<16xf32>,
      %parallel_loop3A_91 = tpu.vector_load_idx %arg6[%parallel_loop3A_72] : memref<10000xf32, #tpu.memory_space<vmem>>[vector<16xi32>], vector<16xf32>,
      %parallel_loop3A_92 = arith.index_cast %parallel_loop3A_70 : i32 to index
      %parallel_loop3A_93 = tpu.vector_load %arg13[%parallel_loop3A_92] {strides = array<i32>} : memref<10000xf32, #tpu.memory_space<vmem>>, vector<16xf32>,
      tpu.vector_store %arg13[%parallel_loop3A_92], %parallel_loop3A_91 {strides = array<i32>} : memref<10000xf32, #tpu.memory_space<vmem>>, vector<16xf32>,
      %parallel_loop3A_94 = tpu.vector_load_idx %arg7[%parallel_loop3A_72] : memref<10000xf32, #tpu.memory_space<vmem>>[vector<16xi32>], vector<16xf32>,
      %parallel_loop3A_95 = arith.index_cast %parallel_loop3A_70 : i32 to index
      %parallel_loop3A_96 = tpu.vector_load %arg14[%parallel_loop3A_95] {strides = array<i32>} : memref<10000xf32, #tpu.memory_space<vmem>>, vector<16xf32>,
      tpu.vector_store %arg14[%parallel_loop3A_95], %parallel_loop3A_94 {strides = array<i32>} : memref<10000xf32, #tpu.memory_space<vmem>>, vector<16xf32>,
    } {sc.loop_unroll_factor = 8 : i64, sc.parallel_access}
    %add3A_7 = arith.constant 0 : i32
    %add3A_8 = arith.addi %add3A_7, %mul3A_2 : i32
    "tpu.region"() ({
      %run_scoped3A = tpu.sem_alloc : memref<!tpu.dma_semaphore, #tpu.memory_space<semaphore_mem>>
      %dma_start3A = tpu.memref_slice %arg4[%add3A_8] : memref<7680000xf32, #tpu.memory_space<hbm>> -> memref<10000xf32, #tpu.memory_space<hbm>>
      %dma_start3A_70 = tpu.memref_slice %arg4[%add3A_8] : memref<7680000xf32, #tpu.memory_space<hbm>> -> memref<10000xf32, #tpu.memory_space<hbm>>
      tpu.enqueue_dma source(%arg9 : memref<10000xf32, #tpu.memory_space<vmem>>) target(%dma_start3A_70 : memref<10000xf32, #tpu.memory_space<hbm>>) target_semaphore(%run_scoped3A : memref<!tpu.dma_semaphore, #tpu.memory_space<semaphore_mem>>)
      %dma_wait3A = tpu.memref_slice %arg4[%add3A_8] : memref<7680000xf32, #tpu.memory_space<hbm>> -> memref<10000xf32, #tpu.memory_space<hbm>>
      %dma_wait3A_71 = tpu.memref_slice %arg4[%add3A_8] : memref<7680000xf32, #tpu.memory_space<hbm>> -> memref<10000xf32, #tpu.memory_space<hbm>>
      tpu.wait_dma2 semaphore(%run_scoped3A : memref<!tpu.dma_semaphore, #tpu.memory_space<semaphore_mem>>) src(%arg9 : memref<10000xf32, #tpu.memory_space<vmem>>) dst(%dma_wait3A_71 : memref<10000xf32, #tpu.memory_space<hbm>>)
      tpu.yield
    }) : () -> ()
    %add3A_9 = arith.constant 320000 : i32
    %add3A_10 = arith.addi %add3A_9, %mul3A_2 : i32
    "tpu.region"() ({
      %run_scoped3A = tpu.sem_alloc : memref<!tpu.dma_semaphore, #tpu.memory_space<semaphore_mem>>
      %dma_start3A = tpu.memref_slice %arg4[%add3A_10] : memref<7680000xf32, #tpu.memory_space<hbm>> -> memref<10000xf32, #tpu.memory_space<hbm>>
      %dma_start3A_70 = tpu.memref_slice %arg4[%add3A_10] : memref<7680000xf32, #tpu.memory_space<hbm>> -> memref<10000xf32, #tpu.memory_space<hbm>>
      tpu.enqueue_dma source(%arg10 : memref<10000xf32, #tpu.memory_space<vmem>>) target(%dma_start3A_70 : memref<10000xf32, #tpu.memory_space<hbm>>) target_semaphore(%run_scoped3A : memref<!tpu.dma_semaphore, #tpu.memory_space<semaphore_mem>>)
      %dma_wait3A = tpu.memref_slice %arg4[%add3A_10] : memref<7680000xf32, #tpu.memory_space<hbm>> -> memref<10000xf32, #tpu.memory_space<hbm>>
      %dma_wait3A_71 = tpu.memref_slice %arg4[%add3A_10] : memref<7680000xf32, #tpu.memory_space<hbm>> -> memref<10000xf32, #tpu.memory_space<hbm>>
      tpu.wait_dma2 semaphore(%run_scoped3A : memref<!tpu.dma_semaphore, #tpu.memory_space<semaphore_mem>>) src(%arg10 : memref<10000xf32, #tpu.memory_space<vmem>>) dst(%dma_wait3A_71 : memref<10000xf32, #tpu.memory_space<hbm>>)
      tpu.yield
    }) : () -> ()
    %add3A_11 = arith.constant 640000 : i32
    %add3A_12 = arith.addi %add3A_11, %mul3A_2 : i32
    "tpu.region"() ({
      %run_scoped3A = tpu.sem_alloc : memref<!tpu.dma_semaphore, #tpu.memory_space<semaphore_mem>>
      %dma_start3A = tpu.memref_slice %arg4[%add3A_12] : memref<7680000xf32, #tpu.memory_space<hbm>> -> memref<10000xf32, #tpu.memory_space<hbm>>
      %dma_start3A_70 = tpu.memref_slice %arg4[%add3A_12] : memref<7680000xf32, #tpu.memory_space<hbm>> -> memref<10000xf32, #tpu.memory_space<hbm>>
      tpu.enqueue_dma source(%arg11 : memref<10000xf32, #tpu.memory_space<vmem>>) target(%dma_start3A_70 : memref<10000xf32, #tpu.memory_space<hbm>>) target_semaphore(%run_scoped3A : memref<!tpu.dma_semaphore, #tpu.memory_space<semaphore_mem>>)
      %dma_wait3A = tpu.memref_slice %arg4[%add3A_12] : memref<7680000xf32, #tpu.memory_space<hbm>> -> memref<10000xf32, #tpu.memory_space<hbm>>
      %dma_wait3A_71 = tpu.memref_slice %arg4[%add3A_12] : memref<7680000xf32, #tpu.memory_space<hbm>> -> memref<10000xf32, #tpu.memory_space<hbm>>
      tpu.wait_dma2 semaphore(%run_scoped3A : memref<!tpu.dma_semaphore, #tpu.memory_space<semaphore_mem>>) src(%arg11 : memref<10000xf32, #tpu.memory_space<vmem>>) dst(%dma_wait3A_71 : memref<10000xf32, #tpu.memory_space<hbm>>)
      tpu.yield
    }) : () -> ()
    %add3A_13 = arith.constant 960000 : i32
    %add3A_14 = arith.addi %add3A_13, %mul3A_2 : i32
    "tpu.region"() ({
      %run_scoped3A = tpu.sem_alloc : memref<!tpu.dma_semaphore, #tpu.memory_space<semaphore_mem>>
      %dma_start3A = tpu.memref_slice %arg4[%add3A_14] : memref<7680000xf32, #tpu.memory_space<hbm>> -> memref<10000xf32, #tpu.memory_space<hbm>>
      %dma_start3A_70 = tpu.memref_slice %arg4[%add3A_14] : memref<7680000xf32, #tpu.memory_space<hbm>> -> memref<10000xf32, #tpu.memory_space<hbm>>
      tpu.enqueue_dma source(%arg12 : memref<10000xf32, #tpu.memory_space<vmem>>) target(%dma_start3A_70 : memref<10000xf32, #tpu.memory_space<hbm>>) target_semaphore(%run_scoped3A : memref<!tpu.dma_semaphore, #tpu.memory_space<semaphore_mem>>)
      %dma_wait3A = tpu.memref_slice %arg4[%add3A_14] : memref<7680000xf32, #tpu.memory_space<hbm>> -> memref<10000xf32, #tpu.memory_space<hbm>>
      %dma_wait3A_71 = tpu.memref_slice %arg4[%add3A_14] : memref<7680000xf32, #tpu.memory_space<hbm>> -> memref<10000xf32, #tpu.memory_space<hbm>>
      tpu.wait_dma2 semaphore(%run_scoped3A : memref<!tpu.dma_semaphore, #tpu.memory_space<semaphore_mem>>) src(%arg12 : memref<10000xf32, #tpu.memory_space<vmem>>) dst(%dma_wait3A_71 : memref<10000xf32, #tpu.memory_space<hbm>>)
      tpu.yield
    }) : () -> ()
    %add3A_15 = arith.constant 1280000 : i32
    %add3A_16 = arith.addi %add3A_15, %mul3A_2 : i32
    "tpu.region"() ({
      %run_scoped3A = tpu.sem_alloc : memref<!tpu.dma_semaphore, #tpu.memory_space<semaphore_mem>>
      %dma_start3A = tpu.memref_slice %arg4[%add3A_16] : memref<7680000xf32, #tpu.memory_space<hbm>> -> memref<10000xf32, #tpu.memory_space<hbm>>
      %dma_start3A_70 = tpu.memref_slice %arg4[%add3A_16] : memref<7680000xf32, #tpu.memory_space<hbm>> -> memref<10000xf32, #tpu.memory_space<hbm>>
      tpu.enqueue_dma source(%arg13 : memref<10000xf32, #tpu.memory_space<vmem>>) target(%dma_start3A_70 : memref<10000xf32, #tpu.memory_space<hbm>>) target_semaphore(%run_scoped3A : memref<!tpu.dma_semaphore, #tpu.memory_space<semaphore_mem>>)
      %dma_wait3A = tpu.memref_slice %arg4[%add3A_16] : memref<7680000xf32, #tpu.memory_space<hbm>> -> memref<10000xf32, #tpu.memory_space<hbm>>
      %dma_wait3A_71 = tpu.memref_slice %arg4[%add3A_16] : memref<7680000xf32, #tpu.memory_space<hbm>> -> memref<10000xf32, #tpu.memory_space<hbm>>
      tpu.wait_dma2 semaphore(%run_scoped3A : memref<!tpu.dma_semaphore, #tpu.memory_space<semaphore_mem>>) src(%arg13 : memref<10000xf32, #tpu.memory_space<vmem>>) dst(%dma_wait3A_71 : memref<10000xf32, #tpu.memory_space<hbm>>)
      tpu.yield
    }) : () -> ()
    %add3A_17 = arith.constant 1600000 : i32
    %add3A_18 = arith.addi %add3A_17, %mul3A_2 : i32
    "tpu.region"() ({
      %run_scoped3A = tpu.sem_alloc : memref<!tpu.dma_semaphore, #tpu.memory_space<semaphore_mem>>
      %dma_start3A = tpu.memref_slice %arg4[%add3A_18] : memref<7680000xf32, #tpu.memory_space<hbm>> -> memref<10000xf32, #tpu.memory_space<hbm>>
      %dma_start3A_70 = tpu.memref_slice %arg4[%add3A_18] : memref<7680000xf32, #tpu.memory_space<hbm>> -> memref<10000xf32, #tpu.memory_space<hbm>>
      tpu.enqueue_dma source(%arg14 : memref<10000xf32, #tpu.memory_space<vmem>>) target(%dma_start3A_70 : memref<10000xf32, #tpu.memory_space<hbm>>) target_semaphore(%run_scoped3A : memref<!tpu.dma_semaphore, #tpu.memory_space<semaphore_mem>>)
      %dma_wait3A = tpu.memref_slice %arg4[%add3A_18] : memref<7680000xf32, #tpu.memory_space<hbm>> -> memref<10000xf32, #tpu.memory_space<hbm>>
      %dma_wait3A_71 = tpu.memref_slice %arg4[%add3A_18] : memref<7680000xf32, #tpu.memory_space<hbm>> -> memref<10000xf32, #tpu.memory_space<hbm>>
      tpu.wait_dma2 semaphore(%run_scoped3A : memref<!tpu.dma_semaphore, #tpu.memory_space<semaphore_mem>>) src(%arg14 : memref<10000xf32, #tpu.memory_space<vmem>>) dst(%dma_wait3A_71 : memref<10000xf32, #tpu.memory_space<hbm>>)
      tpu.yield
    }) : () -> ()
    %add3A_19 = arith.constant 320000 : i32
    %add3A_20 = arith.addi %add3A_19, %mul3A_2 : i32
    "tpu.region"() ({
      %run_scoped3A = tpu.sem_alloc : memref<!tpu.dma_semaphore, #tpu.memory_space<semaphore_mem>>
      %dma_start3A = tpu.memref_slice %arg3[%add3A_20] : memref<1280000xi32, #tpu.memory_space<hbm>> -> memref<10000xi32, #tpu.memory_space<hbm>>
      %dma_start3A_70 = tpu.memref_slice %arg3[%add3A_20] : memref<1280000xi32, #tpu.memory_space<hbm>> -> memref<10000xi32, #tpu.memory_space<hbm>>
      tpu.enqueue_dma source(%dma_start3A_70 : memref<10000xi32, #tpu.memory_space<hbm>>) target(%arg8 : memref<10000xi32, #tpu.memory_space<vmem>>) target_semaphore(%run_scoped3A : memref<!tpu.dma_semaphore, #tpu.memory_space<semaphore_mem>>)
      %dma_wait3A = tpu.memref_slice %arg3[%add3A_20] : memref<1280000xi32, #tpu.memory_space<hbm>> -> memref<10000xi32, #tpu.memory_space<hbm>>
      %dma_wait3A_71 = tpu.memref_slice %arg3[%add3A_20] : memref<1280000xi32, #tpu.memory_space<hbm>> -> memref<10000xi32, #tpu.memory_space<hbm>>
      tpu.wait_dma2 semaphore(%run_scoped3A : memref<!tpu.dma_semaphore, #tpu.memory_space<semaphore_mem>>) src(%dma_wait3A_71 : memref<10000xi32, #tpu.memory_space<hbm>>) dst(%arg8 : memref<10000xi32, #tpu.memory_space<vmem>>)
      tpu.yield
    }) : () -> ()
    "tpu.region"() ({
      %run_scoped3A = tpu.sem_alloc : memref<!tpu.dma_semaphore, #tpu.memory_space<semaphore_mem>>
      %dma_start3A = arith.constant 30000 : i32
      %dma_start3A_70 = tpu.memref_slice %arg2[%dma_start3A] : memref<120000xf32, #tpu.memory_space<hbm>> -> memref<10000xf32, #tpu.memory_space<hbm>>
      %dma_start3A_71 = arith.constant 30000 : i32
      %dma_start3A_72 = tpu.memref_slice %arg2[%dma_start3A_71] : memref<120000xf32, #tpu.memory_space<hbm>> -> memref<10000xf32, #tpu.memory_space<hbm>>
      tpu.enqueue_dma source(%dma_start3A_72 : memref<10000xf32, #tpu.memory_space<hbm>>) target(%arg5 : memref<10000xf32, #tpu.memory_space<vmem>>) target_semaphore(%run_scoped3A : memref<!tpu.dma_semaphore, #tpu.memory_space<semaphore_mem>>)
      %dma_wait3A = arith.constant 30000 : i32
      %dma_wait3A_73 = tpu.memref_slice %arg2[%dma_wait3A] : memref<120000xf32, #tpu.memory_space<hbm>> -> memref<10000xf32, #tpu.memory_space<hbm>>
      %dma_wait3A_74 = arith.constant 30000 : i32
      %dma_wait3A_75 = tpu.memref_slice %arg2[%dma_wait3A_74] : memref<120000xf32, #tpu.memory_space<hbm>> -> memref<10000xf32, #tpu.memory_space<hbm>>
      tpu.wait_dma2 semaphore(%run_scoped3A : memref<!tpu.dma_semaphore, #tpu.memory_space<semaphore_mem>>) src(%dma_wait3A_75 : memref<10000xf32, #tpu.memory_space<hbm>>) dst(%arg5 : memref<10000xf32, #tpu.memory_space<vmem>>)
      tpu.yield
    }) : () -> ()
    "tpu.region"() ({
      %run_scoped3A = tpu.sem_alloc : memref<!tpu.dma_semaphore, #tpu.memory_space<semaphore_mem>>
      %dma_start3A = arith.constant 40000 : i32
      %dma_start3A_70 = tpu.memref_slice %arg2[%dma_start3A] : memref<120000xf32, #tpu.memory_space<hbm>> -> memref<10000xf32, #tpu.memory_space<hbm>>
      %dma_start3A_71 = arith.constant 40000 : i32
      %dma_start3A_72 = tpu.memref_slice %arg2[%dma_start3A_71] : memref<120000xf32, #tpu.memory_space<hbm>> -> memref<10000xf32, #tpu.memory_space<hbm>>
      tpu.enqueue_dma source(%dma_start3A_72 : memref<10000xf32, #tpu.memory_space<hbm>>) target(%arg6 : memref<10000xf32, #tpu.memory_space<vmem>>) target_semaphore(%run_scoped3A : memref<!tpu.dma_semaphore, #tpu.memory_space<semaphore_mem>>)
      %dma_wait3A = arith.constant 40000 : i32
      %dma_wait3A_73 = tpu.memref_slice %arg2[%dma_wait3A] : memref<120000xf32, #tpu.memory_space<hbm>> -> memref<10000xf32, #tpu.memory_space<hbm>>
      %dma_wait3A_74 = arith.constant 40000 : i32
      %dma_wait3A_75 = tpu.memref_slice %arg2[%dma_wait3A_74] : memref<120000xf32, #tpu.memory_space<hbm>> -> memref<10000xf32, #tpu.memory_space<hbm>>
      tpu.wait_dma2 semaphore(%run_scoped3A : memref<!tpu.dma_semaphore, #tpu.memory_space<semaphore_mem>>) src(%dma_wait3A_75 : memref<10000xf32, #tpu.memory_space<hbm>>) dst(%arg6 : memref<10000xf32, #tpu.memory_space<vmem>>)
      tpu.yield
    }) : () -> ()
    "tpu.region"() ({
      %run_scoped3A = tpu.sem_alloc : memref<!tpu.dma_semaphore, #tpu.memory_space<semaphore_mem>>
      %dma_start3A = arith.constant 50000 : i32
      %dma_start3A_70 = tpu.memref_slice %arg2[%dma_start3A] : memref<120000xf32, #tpu.memory_space<hbm>> -> memref<10000xf32, #tpu.memory_space<hbm>>
      %dma_start3A_71 = arith.constant 50000 : i32
      %dma_start3A_72 = tpu.memref_slice %arg2[%dma_start3A_71] : memref<120000xf32, #tpu.memory_space<hbm>> -> memref<10000xf32, #tpu.memory_space<hbm>>
      tpu.enqueue_dma source(%dma_start3A_72 : memref<10000xf32, #tpu.memory_space<hbm>>) target(%arg7 : memref<10000xf32, #tpu.memory_space<vmem>>) target_semaphore(%run_scoped3A : memref<!tpu.dma_semaphore, #tpu.memory_space<semaphore_mem>>)
      %dma_wait3A = arith.constant 50000 : i32
      %dma_wait3A_73 = tpu.memref_slice %arg2[%dma_wait3A] : memref<120000xf32, #tpu.memory_space<hbm>> -> memref<10000xf32, #tpu.memory_space<hbm>>
      %dma_wait3A_74 = arith.constant 50000 : i32
      %dma_wait3A_75 = tpu.memref_slice %arg2[%dma_wait3A_74] : memref<120000xf32, #tpu.memory_space<hbm>> -> memref<10000xf32, #tpu.memory_space<hbm>>
      tpu.wait_dma2 semaphore(%run_scoped3A : memref<!tpu.dma_semaphore, #tpu.memory_space<semaphore_mem>>) src(%dma_wait3A_75 : memref<10000xf32, #tpu.memory_space<hbm>>) dst(%arg7 : memref<10000xf32, #tpu.memory_space<vmem>>)
      tpu.yield
    }) : () -> ()
    %parallel_loop3A_21 = arith.constant 0 : i32
    %parallel_loop3A_22 = arith.constant 10000 : i32
    %parallel_loop3A_23 = arith.constant 16 : i32
    scf.for %parallel_loop3A_70 = %parallel_loop3A_21 to %parallel_loop3A_22 step %parallel_loop3A_23  : i32 {
      %parallel_loop3A_71 = arith.index_cast %parallel_loop3A_70 : i32 to index
      %parallel_loop3A_72 = tpu.vector_load %arg8[%parallel_loop3A_71] {strides = array<i32>} : memref<10000xi32, #tpu.memory_space<vmem>>, vector<16xi32>,
      %parallel_loop3A_73 = arith.addi %mul3A_2, %parallel_loop3A_70 : i32
      %parallel_loop3A_74 = vector.broadcast %parallel_loop3A_73 : i32 to vector<16xi32>
      %parallel_loop3A_75 = arith.addi %iota3A, %parallel_loop3A_74 : vector<16xi32>
      %parallel_loop3A_76 = arith.constant 5 : i32
      %parallel_loop3A_77 = vector.broadcast %parallel_loop3A_76 : i32 to vector<16xi32>
      %parallel_loop3A_78 = arith.shrui %parallel_loop3A_75, %parallel_loop3A_77 : vector<16xi32>
      %parallel_loop3A_79 = tpu.vector_load_idx %arg5[%parallel_loop3A_78] : memref<10000xf32, #tpu.memory_space<vmem>>[vector<16xi32>], vector<16xf32>,
      %parallel_loop3A_80 = arith.index_cast %parallel_loop3A_70 : i32 to index
      %parallel_loop3A_81 = tpu.vector_load %arg9[%parallel_loop3A_80] {strides = array<i32>} : memref<10000xf32, #tpu.memory_space<vmem>>, vector<16xf32>,
      tpu.vector_store %arg9[%parallel_loop3A_80], %parallel_loop3A_79 {strides = array<i32>} : memref<10000xf32, #tpu.memory_space<vmem>>, vector<16xf32>,
      %parallel_loop3A_82 = tpu.vector_load_idx %arg6[%parallel_loop3A_78] : memref<10000xf32, #tpu.memory_space<vmem>>[vector<16xi32>], vector<16xf32>,
      %parallel_loop3A_83 = arith.index_cast %parallel_loop3A_70 : i32 to index
      %parallel_loop3A_84 = tpu.vector_load %arg10[%parallel_loop3A_83] {strides = array<i32>} : memref<10000xf32, #tpu.memory_space<vmem>>, vector<16xf32>,
      tpu.vector_store %arg10[%parallel_loop3A_83], %parallel_loop3A_82 {strides = array<i32>} : memref<10000xf32, #tpu.memory_space<vmem>>, vector<16xf32>,
      %parallel_loop3A_85 = tpu.vector_load_idx %arg7[%parallel_loop3A_78] : memref<10000xf32, #tpu.memory_space<vmem>>[vector<16xi32>], vector<16xf32>,
      %parallel_loop3A_86 = arith.index_cast %parallel_loop3A_70 : i32 to index
      %parallel_loop3A_87 = tpu.vector_load %arg11[%parallel_loop3A_86] {strides = array<i32>} : memref<10000xf32, #tpu.memory_space<vmem>>, vector<16xf32>,
      tpu.vector_store %arg11[%parallel_loop3A_86], %parallel_loop3A_85 {strides = array<i32>} : memref<10000xf32, #tpu.memory_space<vmem>>, vector<16xf32>,
      %parallel_loop3A_88 = tpu.vector_load_idx %arg5[%parallel_loop3A_72] : memref<10000xf32, #tpu.memory_space<vmem>>[vector<16xi32>], vector<16xf32>,
      %parallel_loop3A_89 = arith.index_cast %parallel_loop3A_70 : i32 to index
      %parallel_loop3A_90 = tpu.vector_load %arg12[%parallel_loop3A_89] {strides = array<i32>} : memref<10000xf32, #tpu.memory_space<vmem>>, vector<16xf32>,
      tpu.vector_store %arg12[%parallel_loop3A_89], %parallel_loop3A_88 {strides = array<i32>} : memref<10000xf32, #tpu.memory_space<vmem>>, vector<16xf32>,
      %parallel_loop3A_91 = tpu.vector_load_idx %arg6[%parallel_loop3A_72] : memref<10000xf32, #tpu.memory_space<vmem>>[vector<16xi32>], vector<16xf32>,
      %parallel_loop3A_92 = arith.index_cast %parallel_loop3A_70 : i32 to index
      %parallel_loop3A_93 = tpu.vector_load %arg13[%parallel_loop3A_92] {strides = array<i32>} : memref<10000xf32, #tpu.memory_space<vmem>>, vector<16xf32>,
      tpu.vector_store %arg13[%parallel_loop3A_92], %parallel_loop3A_91 {strides = array<i32>} : memref<10000xf32, #tpu.memory_space<vmem>>, vector<16xf32>,
      %parallel_loop3A_94 = tpu.vector_load_idx %arg7[%parallel_loop3A_72] : memref<10000xf32, #tpu.memory_space<vmem>>[vector<16xi32>], vector<16xf32>,
      %parallel_loop3A_95 = arith.index_cast %parallel_loop3A_70 : i32 to index
      %parallel_loop3A_96 = tpu.vector_load %arg14[%parallel_loop3A_95] {strides = array<i32>} : memref<10000xf32, #tpu.memory_space<vmem>>, vector<16xf32>,
      tpu.vector_store %arg14[%parallel_loop3A_95], %parallel_loop3A_94 {strides = array<i32>} : memref<10000xf32, #tpu.memory_space<vmem>>, vector<16xf32>,
    } {sc.loop_unroll_factor = 8 : i64, sc.parallel_access}
    %add3A_24 = arith.constant 1920000 : i32
    %add3A_25 = arith.addi %add3A_24, %mul3A_2 : i32
    "tpu.region"() ({
      %run_scoped3A = tpu.sem_alloc : memref<!tpu.dma_semaphore, #tpu.memory_space<semaphore_mem>>
      %dma_start3A = tpu.memref_slice %arg4[%add3A_25] : memref<7680000xf32, #tpu.memory_space<hbm>> -> memref<10000xf32, #tpu.memory_space<hbm>>
      %dma_start3A_70 = tpu.memref_slice %arg4[%add3A_25] : memref<7680000xf32, #tpu.memory_space<hbm>> -> memref<10000xf32, #tpu.memory_space<hbm>>
      tpu.enqueue_dma source(%arg9 : memref<10000xf32, #tpu.memory_space<vmem>>) target(%dma_start3A_70 : memref<10000xf32, #tpu.memory_space<hbm>>) target_semaphore(%run_scoped3A : memref<!tpu.dma_semaphore, #tpu.memory_space<semaphore_mem>>)
      %dma_wait3A = tpu.memref_slice %arg4[%add3A_25] : memref<7680000xf32, #tpu.memory_space<hbm>> -> memref<10000xf32, #tpu.memory_space<hbm>>
      %dma_wait3A_71 = tpu.memref_slice %arg4[%add3A_25] : memref<7680000xf32, #tpu.memory_space<hbm>> -> memref<10000xf32, #tpu.memory_space<hbm>>
      tpu.wait_dma2 semaphore(%run_scoped3A : memref<!tpu.dma_semaphore, #tpu.memory_space<semaphore_mem>>) src(%arg9 : memref<10000xf32, #tpu.memory_space<vmem>>) dst(%dma_wait3A_71 : memref<10000xf32, #tpu.memory_space<hbm>>)
      tpu.yield
    }) : () -> ()
    %add3A_26 = arith.constant 2240000 : i32
    %add3A_27 = arith.addi %add3A_26, %mul3A_2 : i32
    "tpu.region"() ({
      %run_scoped3A = tpu.sem_alloc : memref<!tpu.dma_semaphore, #tpu.memory_space<semaphore_mem>>
      %dma_start3A = tpu.memref_slice %arg4[%add3A_27] : memref<7680000xf32, #tpu.memory_space<hbm>> -> memref<10000xf32, #tpu.memory_space<hbm>>
      %dma_start3A_70 = tpu.memref_slice %arg4[%add3A_27] : memref<7680000xf32, #tpu.memory_space<hbm>> -> memref<10000xf32, #tpu.memory_space<hbm>>
      tpu.enqueue_dma source(%arg10 : memref<10000xf32, #tpu.memory_space<vmem>>) target(%dma_start3A_70 : memref<10000xf32, #tpu.memory_space<hbm>>) target_semaphore(%run_scoped3A : memref<!tpu.dma_semaphore, #tpu.memory_space<semaphore_mem>>)
      %dma_wait3A = tpu.memref_slice %arg4[%add3A_27] : memref<7680000xf32, #tpu.memory_space<hbm>> -> memref<10000xf32, #tpu.memory_space<hbm>>
      %dma_wait3A_71 = tpu.memref_slice %arg4[%add3A_27] : memref<7680000xf32, #tpu.memory_space<hbm>> -> memref<10000xf32, #tpu.memory_space<hbm>>
      tpu.wait_dma2 semaphore(%run_scoped3A : memref<!tpu.dma_semaphore, #tpu.memory_space<semaphore_mem>>) src(%arg10 : memref<10000xf32, #tpu.memory_space<vmem>>) dst(%dma_wait3A_71 : memref<10000xf32, #tpu.memory_space<hbm>>)
      tpu.yield
    }) : () -> ()
    %add3A_28 = arith.constant 2560000 : i32
    %add3A_29 = arith.addi %add3A_28, %mul3A_2 : i32
    "tpu.region"() ({
      %run_scoped3A = tpu.sem_alloc : memref<!tpu.dma_semaphore, #tpu.memory_space<semaphore_mem>>
      %dma_start3A = tpu.memref_slice %arg4[%add3A_29] : memref<7680000xf32, #tpu.memory_space<hbm>> -> memref<10000xf32, #tpu.memory_space<hbm>>
      %dma_start3A_70 = tpu.memref_slice %arg4[%add3A_29] : memref<7680000xf32, #tpu.memory_space<hbm>> -> memref<10000xf32, #tpu.memory_space<hbm>>
      tpu.enqueue_dma source(%arg11 : memref<10000xf32, #tpu.memory_space<vmem>>) target(%dma_start3A_70 : memref<10000xf32, #tpu.memory_space<hbm>>) target_semaphore(%run_scoped3A : memref<!tpu.dma_semaphore, #tpu.memory_space<semaphore_mem>>)
      %dma_wait3A = tpu.memref_slice %arg4[%add3A_29] : memref<7680000xf32, #tpu.memory_space<hbm>> -> memref<10000xf32, #tpu.memory_space<hbm>>
      %dma_wait3A_71 = tpu.memref_slice %arg4[%add3A_29] : memref<7680000xf32, #tpu.memory_space<hbm>> -> memref<10000xf32, #tpu.memory_space<hbm>>
      tpu.wait_dma2 semaphore(%run_scoped3A : memref<!tpu.dma_semaphore, #tpu.memory_space<semaphore_mem>>) src(%arg11 : memref<10000xf32, #tpu.memory_space<vmem>>) dst(%dma_wait3A_71 : memref<10000xf32, #tpu.memory_space<hbm>>)
      tpu.yield
    }) : () -> ()
    %add3A_30 = arith.constant 2880000 : i32
    %add3A_31 = arith.addi %add3A_30, %mul3A_2 : i32
    "tpu.region"() ({
      %run_scoped3A = tpu.sem_alloc : memref<!tpu.dma_semaphore, #tpu.memory_space<semaphore_mem>>
      %dma_start3A = tpu.memref_slice %arg4[%add3A_31] : memref<7680000xf32, #tpu.memory_space<hbm>> -> memref<10000xf32, #tpu.memory_space<hbm>>
      %dma_start3A_70 = tpu.memref_slice %arg4[%add3A_31] : memref<7680000xf32, #tpu.memory_space<hbm>> -> memref<10000xf32, #tpu.memory_space<hbm>>
      tpu.enqueue_dma source(%arg12 : memref<10000xf32, #tpu.memory_space<vmem>>) target(%dma_start3A_70 : memref<10000xf32, #tpu.memory_space<hbm>>) target_semaphore(%run_scoped3A : memref<!tpu.dma_semaphore, #tpu.memory_space<semaphore_mem>>)
      %dma_wait3A = tpu.memref_slice %arg4[%add3A_31] : memref<7680000xf32, #tpu.memory_space<hbm>> -> memref<10000xf32, #tpu.memory_space<hbm>>
      %dma_wait3A_71 = tpu.memref_slice %arg4[%add3A_31] : memref<7680000xf32, #tpu.memory_space<hbm>> -> memref<10000xf32, #tpu.memory_space<hbm>>
      tpu.wait_dma2 semaphore(%run_scoped3A : memref<!tpu.dma_semaphore, #tpu.memory_space<semaphore_mem>>) src(%arg12 : memref<10000xf32, #tpu.memory_space<vmem>>) dst(%dma_wait3A_71 : memref<10000xf32, #tpu.memory_space<hbm>>)
      tpu.yield
    }) : () -> ()
    %add3A_32 = arith.constant 3200000 : i32
    %add3A_33 = arith.addi %add3A_32, %mul3A_2 : i32
    "tpu.region"() ({
      %run_scoped3A = tpu.sem_alloc : memref<!tpu.dma_semaphore, #tpu.memory_space<semaphore_mem>>
      %dma_start3A = tpu.memref_slice %arg4[%add3A_33] : memref<7680000xf32, #tpu.memory_space<hbm>> -> memref<10000xf32, #tpu.memory_space<hbm>>
      %dma_start3A_70 = tpu.memref_slice %arg4[%add3A_33] : memref<7680000xf32, #tpu.memory_space<hbm>> -> memref<10000xf32, #tpu.memory_space<hbm>>
      tpu.enqueue_dma source(%arg13 : memref<10000xf32, #tpu.memory_space<vmem>>) target(%dma_start3A_70 : memref<10000xf32, #tpu.memory_space<hbm>>) target_semaphore(%run_scoped3A : memref<!tpu.dma_semaphore, #tpu.memory_space<semaphore_mem>>)
      %dma_wait3A = tpu.memref_slice %arg4[%add3A_33] : memref<7680000xf32, #tpu.memory_space<hbm>> -> memref<10000xf32, #tpu.memory_space<hbm>>
      %dma_wait3A_71 = tpu.memref_slice %arg4[%add3A_33] : memref<7680000xf32, #tpu.memory_space<hbm>> -> memref<10000xf32, #tpu.memory_space<hbm>>
      tpu.wait_dma2 semaphore(%run_scoped3A : memref<!tpu.dma_semaphore, #tpu.memory_space<semaphore_mem>>) src(%arg13 : memref<10000xf32, #tpu.memory_space<vmem>>) dst(%dma_wait3A_71 : memref<10000xf32, #tpu.memory_space<hbm>>)
      tpu.yield
    }) : () -> ()
    %add3A_34 = arith.constant 3520000 : i32
    %add3A_35 = arith.addi %add3A_34, %mul3A_2 : i32
    "tpu.region"() ({
      %run_scoped3A = tpu.sem_alloc : memref<!tpu.dma_semaphore, #tpu.memory_space<semaphore_mem>>
      %dma_start3A = tpu.memref_slice %arg4[%add3A_35] : memref<7680000xf32, #tpu.memory_space<hbm>> -> memref<10000xf32, #tpu.memory_space<hbm>>
      %dma_start3A_70 = tpu.memref_slice %arg4[%add3A_35] : memref<7680000xf32, #tpu.memory_space<hbm>> -> memref<10000xf32, #tpu.memory_space<hbm>>
      tpu.enqueue_dma source(%arg14 : memref<10000xf32, #tpu.memory_space<vmem>>) target(%dma_start3A_70 : memref<10000xf32, #tpu.memory_space<hbm>>) target_semaphore(%run_scoped3A : memref<!tpu.dma_semaphore, #tpu.memory_space<semaphore_mem>>)
      %dma_wait3A = tpu.memref_slice %arg4[%add3A_35] : memref<7680000xf32, #tpu.memory_space<hbm>> -> memref<10000xf32, #tpu.memory_space<hbm>>
      %dma_wait3A_71 = tpu.memref_slice %arg4[%add3A_35] : memref<7680000xf32, #tpu.memory_space<hbm>> -> memref<10000xf32, #tpu.memory_space<hbm>>
      tpu.wait_dma2 semaphore(%run_scoped3A : memref<!tpu.dma_semaphore, #tpu.memory_space<semaphore_mem>>) src(%arg14 : memref<10000xf32, #tpu.memory_space<vmem>>) dst(%dma_wait3A_71 : memref<10000xf32, #tpu.memory_space<hbm>>)
      tpu.yield
    }) : () -> ()
    %add3A_36 = arith.constant 640000 : i32
    %add3A_37 = arith.addi %add3A_36, %mul3A_2 : i32
    "tpu.region"() ({
      %run_scoped3A = tpu.sem_alloc : memref<!tpu.dma_semaphore, #tpu.memory_space<semaphore_mem>>
      %dma_start3A = tpu.memref_slice %arg3[%add3A_37] : memref<1280000xi32, #tpu.memory_space<hbm>> -> memref<10000xi32, #tpu.memory_space<hbm>>
      %dma_start3A_70 = tpu.memref_slice %arg3[%add3A_37] : memref<1280000xi32, #tpu.memory_space<hbm>> -> memref<10000xi32, #tpu.memory_space<hbm>>
      tpu.enqueue_dma source(%dma_start3A_70 : memref<10000xi32, #tpu.memory_space<hbm>>) target(%arg8 : memref<10000xi32, #tpu.memory_space<vmem>>) target_semaphore(%run_scoped3A : memref<!tpu.dma_semaphore, #tpu.memory_space<semaphore_mem>>)
      %dma_wait3A = tpu.memref_slice %arg3[%add3A_37] : memref<1280000xi32, #tpu.memory_space<hbm>> -> memref<10000xi32, #tpu.memory_space<hbm>>
      %dma_wait3A_71 = tpu.memref_slice %arg3[%add3A_37] : memref<1280000xi32, #tpu.memory_space<hbm>> -> memref<10000xi32, #tpu.memory_space<hbm>>
      tpu.wait_dma2 semaphore(%run_scoped3A : memref<!tpu.dma_semaphore, #tpu.memory_space<semaphore_mem>>) src(%dma_wait3A_71 : memref<10000xi32, #tpu.memory_space<hbm>>) dst(%arg8 : memref<10000xi32, #tpu.memory_space<vmem>>)
      tpu.yield
    }) : () -> ()
    "tpu.region"() ({
      %run_scoped3A = tpu.sem_alloc : memref<!tpu.dma_semaphore, #tpu.memory_space<semaphore_mem>>
      %dma_start3A = arith.constant 60000 : i32
      %dma_start3A_70 = tpu.memref_slice %arg2[%dma_start3A] : memref<120000xf32, #tpu.memory_space<hbm>> -> memref<10000xf32, #tpu.memory_space<hbm>>
      %dma_start3A_71 = arith.constant 60000 : i32
      %dma_start3A_72 = tpu.memref_slice %arg2[%dma_start3A_71] : memref<120000xf32, #tpu.memory_space<hbm>> -> memref<10000xf32, #tpu.memory_space<hbm>>
      tpu.enqueue_dma source(%dma_start3A_72 : memref<10000xf32, #tpu.memory_space<hbm>>) target(%arg5 : memref<10000xf32, #tpu.memory_space<vmem>>) target_semaphore(%run_scoped3A : memref<!tpu.dma_semaphore, #tpu.memory_space<semaphore_mem>>)
      %dma_wait3A = arith.constant 60000 : i32
      %dma_wait3A_73 = tpu.memref_slice %arg2[%dma_wait3A] : memref<120000xf32, #tpu.memory_space<hbm>> -> memref<10000xf32, #tpu.memory_space<hbm>>
      %dma_wait3A_74 = arith.constant 60000 : i32
      %dma_wait3A_75 = tpu.memref_slice %arg2[%dma_wait3A_74] : memref<120000xf32, #tpu.memory_space<hbm>> -> memref<10000xf32, #tpu.memory_space<hbm>>
      tpu.wait_dma2 semaphore(%run_scoped3A : memref<!tpu.dma_semaphore, #tpu.memory_space<semaphore_mem>>) src(%dma_wait3A_75 : memref<10000xf32, #tpu.memory_space<hbm>>) dst(%arg5 : memref<10000xf32, #tpu.memory_space<vmem>>)
      tpu.yield
    }) : () -> ()
    "tpu.region"() ({
      %run_scoped3A = tpu.sem_alloc : memref<!tpu.dma_semaphore, #tpu.memory_space<semaphore_mem>>
      %dma_start3A = arith.constant 70000 : i32
      %dma_start3A_70 = tpu.memref_slice %arg2[%dma_start3A] : memref<120000xf32, #tpu.memory_space<hbm>> -> memref<10000xf32, #tpu.memory_space<hbm>>
      %dma_start3A_71 = arith.constant 70000 : i32
      %dma_start3A_72 = tpu.memref_slice %arg2[%dma_start3A_71] : memref<120000xf32, #tpu.memory_space<hbm>> -> memref<10000xf32, #tpu.memory_space<hbm>>
      tpu.enqueue_dma source(%dma_start3A_72 : memref<10000xf32, #tpu.memory_space<hbm>>) target(%arg6 : memref<10000xf32, #tpu.memory_space<vmem>>) target_semaphore(%run_scoped3A : memref<!tpu.dma_semaphore, #tpu.memory_space<semaphore_mem>>)
      %dma_wait3A = arith.constant 70000 : i32
      %dma_wait3A_73 = tpu.memref_slice %arg2[%dma_wait3A] : memref<120000xf32, #tpu.memory_space<hbm>> -> memref<10000xf32, #tpu.memory_space<hbm>>
      %dma_wait3A_74 = arith.constant 70000 : i32
      %dma_wait3A_75 = tpu.memref_slice %arg2[%dma_wait3A_74] : memref<120000xf32, #tpu.memory_space<hbm>> -> memref<10000xf32, #tpu.memory_space<hbm>>
      tpu.wait_dma2 semaphore(%run_scoped3A : memref<!tpu.dma_semaphore, #tpu.memory_space<semaphore_mem>>) src(%dma_wait3A_75 : memref<10000xf32, #tpu.memory_space<hbm>>) dst(%arg6 : memref<10000xf32, #tpu.memory_space<vmem>>)
      tpu.yield
    }) : () -> ()
    "tpu.region"() ({
      %run_scoped3A = tpu.sem_alloc : memref<!tpu.dma_semaphore, #tpu.memory_space<semaphore_mem>>
      %dma_start3A = arith.constant 80000 : i32
      %dma_start3A_70 = tpu.memref_slice %arg2[%dma_start3A] : memref<120000xf32, #tpu.memory_space<hbm>> -> memref<10000xf32, #tpu.memory_space<hbm>>
      %dma_start3A_71 = arith.constant 80000 : i32
      %dma_start3A_72 = tpu.memref_slice %arg2[%dma_start3A_71] : memref<120000xf32, #tpu.memory_space<hbm>> -> memref<10000xf32, #tpu.memory_space<hbm>>
      tpu.enqueue_dma source(%dma_start3A_72 : memref<10000xf32, #tpu.memory_space<hbm>>) target(%arg7 : memref<10000xf32, #tpu.memory_space<vmem>>) target_semaphore(%run_scoped3A : memref<!tpu.dma_semaphore, #tpu.memory_space<semaphore_mem>>)
      %dma_wait3A = arith.constant 80000 : i32
      %dma_wait3A_73 = tpu.memref_slice %arg2[%dma_wait3A] : memref<120000xf32, #tpu.memory_space<hbm>> -> memref<10000xf32, #tpu.memory_space<hbm>>
      %dma_wait3A_74 = arith.constant 80000 : i32
      %dma_wait3A_75 = tpu.memref_slice %arg2[%dma_wait3A_74] : memref<120000xf32, #tpu.memory_space<hbm>> -> memref<10000xf32, #tpu.memory_space<hbm>>
      tpu.wait_dma2 semaphore(%run_scoped3A : memref<!tpu.dma_semaphore, #tpu.memory_space<semaphore_mem>>) src(%dma_wait3A_75 : memref<10000xf32, #tpu.memory_space<hbm>>) dst(%arg7 : memref<10000xf32, #tpu.memory_space<vmem>>)
      tpu.yield
    }) : () -> ()
    %parallel_loop3A_38 = arith.constant 0 : i32
    %parallel_loop3A_39 = arith.constant 10000 : i32
    %parallel_loop3A_40 = arith.constant 16 : i32
    scf.for %parallel_loop3A_70 = %parallel_loop3A_38 to %parallel_loop3A_39 step %parallel_loop3A_40  : i32 {
      %parallel_loop3A_71 = arith.index_cast %parallel_loop3A_70 : i32 to index
      %parallel_loop3A_72 = tpu.vector_load %arg8[%parallel_loop3A_71] {strides = array<i32>} : memref<10000xi32, #tpu.memory_space<vmem>>, vector<16xi32>,
      %parallel_loop3A_73 = arith.addi %mul3A_2, %parallel_loop3A_70 : i32
      %parallel_loop3A_74 = vector.broadcast %parallel_loop3A_73 : i32 to vector<16xi32>
      %parallel_loop3A_75 = arith.addi %iota3A, %parallel_loop3A_74 : vector<16xi32>
      %parallel_loop3A_76 = arith.constant 5 : i32
      %parallel_loop3A_77 = vector.broadcast %parallel_loop3A_76 : i32 to vector<16xi32>
      %parallel_loop3A_78 = arith.shrui %parallel_loop3A_75, %parallel_loop3A_77 : vector<16xi32>
      %parallel_loop3A_79 = tpu.vector_load_idx %arg5[%parallel_loop3A_78] : memref<10000xf32, #tpu.memory_space<vmem>>[vector<16xi32>], vector<16xf32>,
      %parallel_loop3A_80 = arith.index_cast %parallel_loop3A_70 : i32 to index
      %parallel_loop3A_81 = tpu.vector_load %arg9[%parallel_loop3A_80] {strides = array<i32>} : memref<10000xf32, #tpu.memory_space<vmem>>, vector<16xf32>,
      tpu.vector_store %arg9[%parallel_loop3A_80], %parallel_loop3A_79 {strides = array<i32>} : memref<10000xf32, #tpu.memory_space<vmem>>, vector<16xf32>,
      %parallel_loop3A_82 = tpu.vector_load_idx %arg6[%parallel_loop3A_78] : memref<10000xf32, #tpu.memory_space<vmem>>[vector<16xi32>], vector<16xf32>,
      %parallel_loop3A_83 = arith.index_cast %parallel_loop3A_70 : i32 to index
      %parallel_loop3A_84 = tpu.vector_load %arg10[%parallel_loop3A_83] {strides = array<i32>} : memref<10000xf32, #tpu.memory_space<vmem>>, vector<16xf32>,
      tpu.vector_store %arg10[%parallel_loop3A_83], %parallel_loop3A_82 {strides = array<i32>} : memref<10000xf32, #tpu.memory_space<vmem>>, vector<16xf32>,
      %parallel_loop3A_85 = tpu.vector_load_idx %arg7[%parallel_loop3A_78] : memref<10000xf32, #tpu.memory_space<vmem>>[vector<16xi32>], vector<16xf32>,
      %parallel_loop3A_86 = arith.index_cast %parallel_loop3A_70 : i32 to index
      %parallel_loop3A_87 = tpu.vector_load %arg11[%parallel_loop3A_86] {strides = array<i32>} : memref<10000xf32, #tpu.memory_space<vmem>>, vector<16xf32>,
      tpu.vector_store %arg11[%parallel_loop3A_86], %parallel_loop3A_85 {strides = array<i32>} : memref<10000xf32, #tpu.memory_space<vmem>>, vector<16xf32>,
      %parallel_loop3A_88 = tpu.vector_load_idx %arg5[%parallel_loop3A_72] : memref<10000xf32, #tpu.memory_space<vmem>>[vector<16xi32>], vector<16xf32>,
      %parallel_loop3A_89 = arith.index_cast %parallel_loop3A_70 : i32 to index
      %parallel_loop3A_90 = tpu.vector_load %arg12[%parallel_loop3A_89] {strides = array<i32>} : memref<10000xf32, #tpu.memory_space<vmem>>, vector<16xf32>,
      tpu.vector_store %arg12[%parallel_loop3A_89], %parallel_loop3A_88 {strides = array<i32>} : memref<10000xf32, #tpu.memory_space<vmem>>, vector<16xf32>,
      %parallel_loop3A_91 = tpu.vector_load_idx %arg6[%parallel_loop3A_72] : memref<10000xf32, #tpu.memory_space<vmem>>[vector<16xi32>], vector<16xf32>,
      %parallel_loop3A_92 = arith.index_cast %parallel_loop3A_70 : i32 to index
      %parallel_loop3A_93 = tpu.vector_load %arg13[%parallel_loop3A_92] {strides = array<i32>} : memref<10000xf32, #tpu.memory_space<vmem>>, vector<16xf32>,
      tpu.vector_store %arg13[%parallel_loop3A_92], %parallel_loop3A_91 {strides = array<i32>} : memref<10000xf32, #tpu.memory_space<vmem>>, vector<16xf32>,
      %parallel_loop3A_94 = tpu.vector_load_idx %arg7[%parallel_loop3A_72] : memref<10000xf32, #tpu.memory_space<vmem>>[vector<16xi32>], vector<16xf32>,
      %parallel_loop3A_95 = arith.index_cast %parallel_loop3A_70 : i32 to index
      %parallel_loop3A_96 = tpu.vector_load %arg14[%parallel_loop3A_95] {strides = array<i32>} : memref<10000xf32, #tpu.memory_space<vmem>>, vector<16xf32>,
      tpu.vector_store %arg14[%parallel_loop3A_95], %parallel_loop3A_94 {strides = array<i32>} : memref<10000xf32, #tpu.memory_space<vmem>>, vector<16xf32>,
    } {sc.loop_unroll_factor = 8 : i64, sc.parallel_access}
    %add3A_41 = arith.constant 3840000 : i32
    %add3A_42 = arith.addi %add3A_41, %mul3A_2 : i32
    "tpu.region"() ({
      %run_scoped3A = tpu.sem_alloc : memref<!tpu.dma_semaphore, #tpu.memory_space<semaphore_mem>>
      %dma_start3A = tpu.memref_slice %arg4[%add3A_42] : memref<7680000xf32, #tpu.memory_space<hbm>> -> memref<10000xf32, #tpu.memory_space<hbm>>
      %dma_start3A_70 = tpu.memref_slice %arg4[%add3A_42] : memref<7680000xf32, #tpu.memory_space<hbm>> -> memref<10000xf32, #tpu.memory_space<hbm>>
      tpu.enqueue_dma source(%arg9 : memref<10000xf32, #tpu.memory_space<vmem>>) target(%dma_start3A_70 : memref<10000xf32, #tpu.memory_space<hbm>>) target_semaphore(%run_scoped3A : memref<!tpu.dma_semaphore, #tpu.memory_space<semaphore_mem>>)
      %dma_wait3A = tpu.memref_slice %arg4[%add3A_42] : memref<7680000xf32, #tpu.memory_space<hbm>> -> memref<10000xf32, #tpu.memory_space<hbm>>
      %dma_wait3A_71 = tpu.memref_slice %arg4[%add3A_42] : memref<7680000xf32, #tpu.memory_space<hbm>> -> memref<10000xf32, #tpu.memory_space<hbm>>
      tpu.wait_dma2 semaphore(%run_scoped3A : memref<!tpu.dma_semaphore, #tpu.memory_space<semaphore_mem>>) src(%arg9 : memref<10000xf32, #tpu.memory_space<vmem>>) dst(%dma_wait3A_71 : memref<10000xf32, #tpu.memory_space<hbm>>)
      tpu.yield
    }) : () -> ()
    %add3A_43 = arith.constant 4160000 : i32
    %add3A_44 = arith.addi %add3A_43, %mul3A_2 : i32
    "tpu.region"() ({
      %run_scoped3A = tpu.sem_alloc : memref<!tpu.dma_semaphore, #tpu.memory_space<semaphore_mem>>
      %dma_start3A = tpu.memref_slice %arg4[%add3A_44] : memref<7680000xf32, #tpu.memory_space<hbm>> -> memref<10000xf32, #tpu.memory_space<hbm>>
      %dma_start3A_70 = tpu.memref_slice %arg4[%add3A_44] : memref<7680000xf32, #tpu.memory_space<hbm>> -> memref<10000xf32, #tpu.memory_space<hbm>>
      tpu.enqueue_dma source(%arg10 : memref<10000xf32, #tpu.memory_space<vmem>>) target(%dma_start3A_70 : memref<10000xf32, #tpu.memory_space<hbm>>) target_semaphore(%run_scoped3A : memref<!tpu.dma_semaphore, #tpu.memory_space<semaphore_mem>>)
      %dma_wait3A = tpu.memref_slice %arg4[%add3A_44] : memref<7680000xf32, #tpu.memory_space<hbm>> -> memref<10000xf32, #tpu.memory_space<hbm>>
      %dma_wait3A_71 = tpu.memref_slice %arg4[%add3A_44] : memref<7680000xf32, #tpu.memory_space<hbm>> -> memref<10000xf32, #tpu.memory_space<hbm>>
      tpu.wait_dma2 semaphore(%run_scoped3A : memref<!tpu.dma_semaphore, #tpu.memory_space<semaphore_mem>>) src(%arg10 : memref<10000xf32, #tpu.memory_space<vmem>>) dst(%dma_wait3A_71 : memref<10000xf32, #tpu.memory_space<hbm>>)
      tpu.yield
    }) : () -> ()
    %add3A_45 = arith.constant 4480000 : i32
    %add3A_46 = arith.addi %add3A_45, %mul3A_2 : i32
    "tpu.region"() ({
      %run_scoped3A = tpu.sem_alloc : memref<!tpu.dma_semaphore, #tpu.memory_space<semaphore_mem>>
      %dma_start3A = tpu.memref_slice %arg4[%add3A_46] : memref<7680000xf32, #tpu.memory_space<hbm>> -> memref<10000xf32, #tpu.memory_space<hbm>>
      %dma_start3A_70 = tpu.memref_slice %arg4[%add3A_46] : memref<7680000xf32, #tpu.memory_space<hbm>> -> memref<10000xf32, #tpu.memory_space<hbm>>
      tpu.enqueue_dma source(%arg11 : memref<10000xf32, #tpu.memory_space<vmem>>) target(%dma_start3A_70 : memref<10000xf32, #tpu.memory_space<hbm>>) target_semaphore(%run_scoped3A : memref<!tpu.dma_semaphore, #tpu.memory_space<semaphore_mem>>)
      %dma_wait3A = tpu.memref_slice %arg4[%add3A_46] : memref<7680000xf32, #tpu.memory_space<hbm>> -> memref<10000xf32, #tpu.memory_space<hbm>>
      %dma_wait3A_71 = tpu.memref_slice %arg4[%add3A_46] : memref<7680000xf32, #tpu.memory_space<hbm>> -> memref<10000xf32, #tpu.memory_space<hbm>>
      tpu.wait_dma2 semaphore(%run_scoped3A : memref<!tpu.dma_semaphore, #tpu.memory_space<semaphore_mem>>) src(%arg11 : memref<10000xf32, #tpu.memory_space<vmem>>) dst(%dma_wait3A_71 : memref<10000xf32, #tpu.memory_space<hbm>>)
      tpu.yield
    }) : () -> ()
    %add3A_47 = arith.constant 4800000 : i32
    %add3A_48 = arith.addi %add3A_47, %mul3A_2 : i32
    "tpu.region"() ({
      %run_scoped3A = tpu.sem_alloc : memref<!tpu.dma_semaphore, #tpu.memory_space<semaphore_mem>>
      %dma_start3A = tpu.memref_slice %arg4[%add3A_48] : memref<7680000xf32, #tpu.memory_space<hbm>> -> memref<10000xf32, #tpu.memory_space<hbm>>
      %dma_start3A_70 = tpu.memref_slice %arg4[%add3A_48] : memref<7680000xf32, #tpu.memory_space<hbm>> -> memref<10000xf32, #tpu.memory_space<hbm>>
      tpu.enqueue_dma source(%arg12 : memref<10000xf32, #tpu.memory_space<vmem>>) target(%dma_start3A_70 : memref<10000xf32, #tpu.memory_space<hbm>>) target_semaphore(%run_scoped3A : memref<!tpu.dma_semaphore, #tpu.memory_space<semaphore_mem>>)
      %dma_wait3A = tpu.memref_slice %arg4[%add3A_48] : memref<7680000xf32, #tpu.memory_space<hbm>> -> memref<10000xf32, #tpu.memory_space<hbm>>
      %dma_wait3A_71 = tpu.memref_slice %arg4[%add3A_48] : memref<7680000xf32, #tpu.memory_space<hbm>> -> memref<10000xf32, #tpu.memory_space<hbm>>
      tpu.wait_dma2 semaphore(%run_scoped3A : memref<!tpu.dma_semaphore, #tpu.memory_space<semaphore_mem>>) src(%arg12 : memref<10000xf32, #tpu.memory_space<vmem>>) dst(%dma_wait3A_71 : memref<10000xf32, #tpu.memory_space<hbm>>)
      tpu.yield
    }) : () -> ()
    %add3A_49 = arith.constant 5120000 : i32
    %add3A_50 = arith.addi %add3A_49, %mul3A_2 : i32
    "tpu.region"() ({
      %run_scoped3A = tpu.sem_alloc : memref<!tpu.dma_semaphore, #tpu.memory_space<semaphore_mem>>
      %dma_start3A = tpu.memref_slice %arg4[%add3A_50] : memref<7680000xf32, #tpu.memory_space<hbm>> -> memref<10000xf32, #tpu.memory_space<hbm>>
      %dma_start3A_70 = tpu.memref_slice %arg4[%add3A_50] : memref<7680000xf32, #tpu.memory_space<hbm>> -> memref<10000xf32, #tpu.memory_space<hbm>>
      tpu.enqueue_dma source(%arg13 : memref<10000xf32, #tpu.memory_space<vmem>>) target(%dma_start3A_70 : memref<10000xf32, #tpu.memory_space<hbm>>) target_semaphore(%run_scoped3A : memref<!tpu.dma_semaphore, #tpu.memory_space<semaphore_mem>>)
      %dma_wait3A = tpu.memref_slice %arg4[%add3A_50] : memref<7680000xf32, #tpu.memory_space<hbm>> -> memref<10000xf32, #tpu.memory_space<hbm>>
      %dma_wait3A_71 = tpu.memref_slice %arg4[%add3A_50] : memref<7680000xf32, #tpu.memory_space<hbm>> -> memref<10000xf32, #tpu.memory_space<hbm>>
      tpu.wait_dma2 semaphore(%run_scoped3A : memref<!tpu.dma_semaphore, #tpu.memory_space<semaphore_mem>>) src(%arg13 : memref<10000xf32, #tpu.memory_space<vmem>>) dst(%dma_wait3A_71 : memref<10000xf32, #tpu.memory_space<hbm>>)
      tpu.yield
    }) : () -> ()
    %add3A_51 = arith.constant 5440000 : i32
    %add3A_52 = arith.addi %add3A_51, %mul3A_2 : i32
    "tpu.region"() ({
      %run_scoped3A = tpu.sem_alloc : memref<!tpu.dma_semaphore, #tpu.memory_space<semaphore_mem>>
      %dma_start3A = tpu.memref_slice %arg4[%add3A_52] : memref<7680000xf32, #tpu.memory_space<hbm>> -> memref<10000xf32, #tpu.memory_space<hbm>>
      %dma_start3A_70 = tpu.memref_slice %arg4[%add3A_52] : memref<7680000xf32, #tpu.memory_space<hbm>> -> memref<10000xf32, #tpu.memory_space<hbm>>
      tpu.enqueue_dma source(%arg14 : memref<10000xf32, #tpu.memory_space<vmem>>) target(%dma_start3A_70 : memref<10000xf32, #tpu.memory_space<hbm>>) target_semaphore(%run_scoped3A : memref<!tpu.dma_semaphore, #tpu.memory_space<semaphore_mem>>)
      %dma_wait3A = tpu.memref_slice %arg4[%add3A_52] : memref<7680000xf32, #tpu.memory_space<hbm>> -> memref<10000xf32, #tpu.memory_space<hbm>>
      %dma_wait3A_71 = tpu.memref_slice %arg4[%add3A_52] : memref<7680000xf32, #tpu.memory_space<hbm>> -> memref<10000xf32, #tpu.memory_space<hbm>>
      tpu.wait_dma2 semaphore(%run_scoped3A : memref<!tpu.dma_semaphore, #tpu.memory_space<semaphore_mem>>) src(%arg14 : memref<10000xf32, #tpu.memory_space<vmem>>) dst(%dma_wait3A_71 : memref<10000xf32, #tpu.memory_space<hbm>>)
      tpu.yield
    }) : () -> ()
    %add3A_53 = arith.constant 960000 : i32
    %add3A_54 = arith.addi %add3A_53, %mul3A_2 : i32
    "tpu.region"() ({
      %run_scoped3A = tpu.sem_alloc : memref<!tpu.dma_semaphore, #tpu.memory_space<semaphore_mem>>
      %dma_start3A = tpu.memref_slice %arg3[%add3A_54] : memref<1280000xi32, #tpu.memory_space<hbm>> -> memref<10000xi32, #tpu.memory_space<hbm>>
      %dma_start3A_70 = tpu.memref_slice %arg3[%add3A_54] : memref<1280000xi32, #tpu.memory_space<hbm>> -> memref<10000xi32, #tpu.memory_space<hbm>>
      tpu.enqueue_dma source(%dma_start3A_70 : memref<10000xi32, #tpu.memory_space<hbm>>) target(%arg8 : memref<10000xi32, #tpu.memory_space<vmem>>) target_semaphore(%run_scoped3A : memref<!tpu.dma_semaphore, #tpu.memory_space<semaphore_mem>>)
      %dma_wait3A = tpu.memref_slice %arg3[%add3A_54] : memref<1280000xi32, #tpu.memory_space<hbm>> -> memref<10000xi32, #tpu.memory_space<hbm>>
      %dma_wait3A_71 = tpu.memref_slice %arg3[%add3A_54] : memref<1280000xi32, #tpu.memory_space<hbm>> -> memref<10000xi32, #tpu.memory_space<hbm>>
      tpu.wait_dma2 semaphore(%run_scoped3A : memref<!tpu.dma_semaphore, #tpu.memory_space<semaphore_mem>>) src(%dma_wait3A_71 : memref<10000xi32, #tpu.memory_space<hbm>>) dst(%arg8 : memref<10000xi32, #tpu.memory_space<vmem>>)
      tpu.yield
    }) : () -> ()
    "tpu.region"() ({
      %run_scoped3A = tpu.sem_alloc : memref<!tpu.dma_semaphore, #tpu.memory_space<semaphore_mem>>
      %dma_start3A = arith.constant 90000 : i32
      %dma_start3A_70 = tpu.memref_slice %arg2[%dma_start3A] : memref<120000xf32, #tpu.memory_space<hbm>> -> memref<10000xf32, #tpu.memory_space<hbm>>
      %dma_start3A_71 = arith.constant 90000 : i32
      %dma_start3A_72 = tpu.memref_slice %arg2[%dma_start3A_71] : memref<120000xf32, #tpu.memory_space<hbm>> -> memref<10000xf32, #tpu.memory_space<hbm>>
      tpu.enqueue_dma source(%dma_start3A_72 : memref<10000xf32, #tpu.memory_space<hbm>>) target(%arg5 : memref<10000xf32, #tpu.memory_space<vmem>>) target_semaphore(%run_scoped3A : memref<!tpu.dma_semaphore, #tpu.memory_space<semaphore_mem>>)
      %dma_wait3A = arith.constant 90000 : i32
      %dma_wait3A_73 = tpu.memref_slice %arg2[%dma_wait3A] : memref<120000xf32, #tpu.memory_space<hbm>> -> memref<10000xf32, #tpu.memory_space<hbm>>
      %dma_wait3A_74 = arith.constant 90000 : i32
      %dma_wait3A_75 = tpu.memref_slice %arg2[%dma_wait3A_74] : memref<120000xf32, #tpu.memory_space<hbm>> -> memref<10000xf32, #tpu.memory_space<hbm>>
      tpu.wait_dma2 semaphore(%run_scoped3A : memref<!tpu.dma_semaphore, #tpu.memory_space<semaphore_mem>>) src(%dma_wait3A_75 : memref<10000xf32, #tpu.memory_space<hbm>>) dst(%arg5 : memref<10000xf32, #tpu.memory_space<vmem>>)
      tpu.yield
    }) : () -> ()
    "tpu.region"() ({
      %run_scoped3A = tpu.sem_alloc : memref<!tpu.dma_semaphore, #tpu.memory_space<semaphore_mem>>
      %dma_start3A = arith.constant 100000 : i32
      %dma_start3A_70 = tpu.memref_slice %arg2[%dma_start3A] : memref<120000xf32, #tpu.memory_space<hbm>> -> memref<10000xf32, #tpu.memory_space<hbm>>
      %dma_start3A_71 = arith.constant 100000 : i32
      %dma_start3A_72 = tpu.memref_slice %arg2[%dma_start3A_71] : memref<120000xf32, #tpu.memory_space<hbm>> -> memref<10000xf32, #tpu.memory_space<hbm>>
      tpu.enqueue_dma source(%dma_start3A_72 : memref<10000xf32, #tpu.memory_space<hbm>>) target(%arg6 : memref<10000xf32, #tpu.memory_space<vmem>>) target_semaphore(%run_scoped3A : memref<!tpu.dma_semaphore, #tpu.memory_space<semaphore_mem>>)
      %dma_wait3A = arith.constant 100000 : i32
      %dma_wait3A_73 = tpu.memref_slice %arg2[%dma_wait3A] : memref<120000xf32, #tpu.memory_space<hbm>> -> memref<10000xf32, #tpu.memory_space<hbm>>
      %dma_wait3A_74 = arith.constant 100000 : i32
      %dma_wait3A_75 = tpu.memref_slice %arg2[%dma_wait3A_74] : memref<120000xf32, #tpu.memory_space<hbm>> -> memref<10000xf32, #tpu.memory_space<hbm>>
      tpu.wait_dma2 semaphore(%run_scoped3A : memref<!tpu.dma_semaphore, #tpu.memory_space<semaphore_mem>>) src(%dma_wait3A_75 : memref<10000xf32, #tpu.memory_space<hbm>>) dst(%arg6 : memref<10000xf32, #tpu.memory_space<vmem>>)
      tpu.yield
    }) : () -> ()
    "tpu.region"() ({
      %run_scoped3A = tpu.sem_alloc : memref<!tpu.dma_semaphore, #tpu.memory_space<semaphore_mem>>
      %dma_start3A = arith.constant 110000 : i32
      %dma_start3A_70 = tpu.memref_slice %arg2[%dma_start3A] : memref<120000xf32, #tpu.memory_space<hbm>> -> memref<10000xf32, #tpu.memory_space<hbm>>
      %dma_start3A_71 = arith.constant 110000 : i32
      %dma_start3A_72 = tpu.memref_slice %arg2[%dma_start3A_71] : memref<120000xf32, #tpu.memory_space<hbm>> -> memref<10000xf32, #tpu.memory_space<hbm>>
      tpu.enqueue_dma source(%dma_start3A_72 : memref<10000xf32, #tpu.memory_space<hbm>>) target(%arg7 : memref<10000xf32, #tpu.memory_space<vmem>>) target_semaphore(%run_scoped3A : memref<!tpu.dma_semaphore, #tpu.memory_space<semaphore_mem>>)
      %dma_wait3A = arith.constant 110000 : i32
      %dma_wait3A_73 = tpu.memref_slice %arg2[%dma_wait3A] : memref<120000xf32, #tpu.memory_space<hbm>> -> memref<10000xf32, #tpu.memory_space<hbm>>
      %dma_wait3A_74 = arith.constant 110000 : i32
      %dma_wait3A_75 = tpu.memref_slice %arg2[%dma_wait3A_74] : memref<120000xf32, #tpu.memory_space<hbm>> -> memref<10000xf32, #tpu.memory_space<hbm>>
      tpu.wait_dma2 semaphore(%run_scoped3A : memref<!tpu.dma_semaphore, #tpu.memory_space<semaphore_mem>>) src(%dma_wait3A_75 : memref<10000xf32, #tpu.memory_space<hbm>>) dst(%arg7 : memref<10000xf32, #tpu.memory_space<vmem>>)
      tpu.yield
    }) : () -> ()
    %parallel_loop3A_55 = arith.constant 0 : i32
    %parallel_loop3A_56 = arith.constant 10000 : i32
    %parallel_loop3A_57 = arith.constant 16 : i32
    scf.for %parallel_loop3A_70 = %parallel_loop3A_55 to %parallel_loop3A_56 step %parallel_loop3A_57  : i32 {
      %parallel_loop3A_71 = arith.index_cast %parallel_loop3A_70 : i32 to index
      %parallel_loop3A_72 = tpu.vector_load %arg8[%parallel_loop3A_71] {strides = array<i32>} : memref<10000xi32, #tpu.memory_space<vmem>>, vector<16xi32>,
      %parallel_loop3A_73 = arith.addi %mul3A_2, %parallel_loop3A_70 : i32
      %parallel_loop3A_74 = vector.broadcast %parallel_loop3A_73 : i32 to vector<16xi32>
      %parallel_loop3A_75 = arith.addi %iota3A, %parallel_loop3A_74 : vector<16xi32>
      %parallel_loop3A_76 = arith.constant 5 : i32
      %parallel_loop3A_77 = vector.broadcast %parallel_loop3A_76 : i32 to vector<16xi32>
      %parallel_loop3A_78 = arith.shrui %parallel_loop3A_75, %parallel_loop3A_77 : vector<16xi32>
      %parallel_loop3A_79 = tpu.vector_load_idx %arg5[%parallel_loop3A_78] : memref<10000xf32, #tpu.memory_space<vmem>>[vector<16xi32>], vector<16xf32>,
      %parallel_loop3A_80 = arith.index_cast %parallel_loop3A_70 : i32 to index
      %parallel_loop3A_81 = tpu.vector_load %arg9[%parallel_loop3A_80] {strides = array<i32>} : memref<10000xf32, #tpu.memory_space<vmem>>, vector<16xf32>,
      tpu.vector_store %arg9[%parallel_loop3A_80], %parallel_loop3A_79 {strides = array<i32>} : memref<10000xf32, #tpu.memory_space<vmem>>, vector<16xf32>,
      %parallel_loop3A_82 = tpu.vector_load_idx %arg6[%parallel_loop3A_78] : memref<10000xf32, #tpu.memory_space<vmem>>[vector<16xi32>], vector<16xf32>,
      %parallel_loop3A_83 = arith.index_cast %parallel_loop3A_70 : i32 to index
      %parallel_loop3A_84 = tpu.vector_load %arg10[%parallel_loop3A_83] {strides = array<i32>} : memref<10000xf32, #tpu.memory_space<vmem>>, vector<16xf32>,
      tpu.vector_store %arg10[%parallel_loop3A_83], %parallel_loop3A_82 {strides = array<i32>} : memref<10000xf32, #tpu.memory_space<vmem>>, vector<16xf32>,
      %parallel_loop3A_85 = tpu.vector_load_idx %arg7[%parallel_loop3A_78] : memref<10000xf32, #tpu.memory_space<vmem>>[vector<16xi32>], vector<16xf32>,
      %parallel_loop3A_86 = arith.index_cast %parallel_loop3A_70 : i32 to index
      %parallel_loop3A_87 = tpu.vector_load %arg11[%parallel_loop3A_86] {strides = array<i32>} : memref<10000xf32, #tpu.memory_space<vmem>>, vector<16xf32>,
      tpu.vector_store %arg11[%parallel_loop3A_86], %parallel_loop3A_85 {strides = array<i32>} : memref<10000xf32, #tpu.memory_space<vmem>>, vector<16xf32>,
      %parallel_loop3A_88 = tpu.vector_load_idx %arg5[%parallel_loop3A_72] : memref<10000xf32, #tpu.memory_space<vmem>>[vector<16xi32>], vector<16xf32>,
      %parallel_loop3A_89 = arith.index_cast %parallel_loop3A_70 : i32 to index
      %parallel_loop3A_90 = tpu.vector_load %arg12[%parallel_loop3A_89] {strides = array<i32>} : memref<10000xf32, #tpu.memory_space<vmem>>, vector<16xf32>,
      tpu.vector_store %arg12[%parallel_loop3A_89], %parallel_loop3A_88 {strides = array<i32>} : memref<10000xf32, #tpu.memory_space<vmem>>, vector<16xf32>,
      %parallel_loop3A_91 = tpu.vector_load_idx %arg6[%parallel_loop3A_72] : memref<10000xf32, #tpu.memory_space<vmem>>[vector<16xi32>], vector<16xf32>,
      %parallel_loop3A_92 = arith.index_cast %parallel_loop3A_70 : i32 to index
      %parallel_loop3A_93 = tpu.vector_load %arg13[%parallel_loop3A_92] {strides = array<i32>} : memref<10000xf32, #tpu.memory_space<vmem>>, vector<16xf32>,
      tpu.vector_store %arg13[%parallel_loop3A_92], %parallel_loop3A_91 {strides = array<i32>} : memref<10000xf32, #tpu.memory_space<vmem>>, vector<16xf32>,
      %parallel_loop3A_94 = tpu.vector_load_idx %arg7[%parallel_loop3A_72] : memref<10000xf32, #tpu.memory_space<vmem>>[vector<16xi32>], vector<16xf32>,
      %parallel_loop3A_95 = arith.index_cast %parallel_loop3A_70 : i32 to index
      %parallel_loop3A_96 = tpu.vector_load %arg14[%parallel_loop3A_95] {strides = array<i32>} : memref<10000xf32, #tpu.memory_space<vmem>>, vector<16xf32>,
      tpu.vector_store %arg14[%parallel_loop3A_95], %parallel_loop3A_94 {strides = array<i32>} : memref<10000xf32, #tpu.memory_space<vmem>>, vector<16xf32>,
    } {sc.loop_unroll_factor = 8 : i64, sc.parallel_access}
    %add3A_58 = arith.constant 5760000 : i32
    %add3A_59 = arith.addi %add3A_58, %mul3A_2 : i32
    "tpu.region"() ({
      %run_scoped3A = tpu.sem_alloc : memref<!tpu.dma_semaphore, #tpu.memory_space<semaphore_mem>>
      %dma_start3A = tpu.memref_slice %arg4[%add3A_59] : memref<7680000xf32, #tpu.memory_space<hbm>> -> memref<10000xf32, #tpu.memory_space<hbm>>
      %dma_start3A_70 = tpu.memref_slice %arg4[%add3A_59] : memref<7680000xf32, #tpu.memory_space<hbm>> -> memref<10000xf32, #tpu.memory_space<hbm>>
      tpu.enqueue_dma source(%arg9 : memref<10000xf32, #tpu.memory_space<vmem>>) target(%dma_start3A_70 : memref<10000xf32, #tpu.memory_space<hbm>>) target_semaphore(%run_scoped3A : memref<!tpu.dma_semaphore, #tpu.memory_space<semaphore_mem>>)
      %dma_wait3A = tpu.memref_slice %arg4[%add3A_59] : memref<7680000xf32, #tpu.memory_space<hbm>> -> memref<10000xf32, #tpu.memory_space<hbm>>
      %dma_wait3A_71 = tpu.memref_slice %arg4[%add3A_59] : memref<7680000xf32, #tpu.memory_space<hbm>> -> memref<10000xf32, #tpu.memory_space<hbm>>
      tpu.wait_dma2 semaphore(%run_scoped3A : memref<!tpu.dma_semaphore, #tpu.memory_space<semaphore_mem>>) src(%arg9 : memref<10000xf32, #tpu.memory_space<vmem>>) dst(%dma_wait3A_71 : memref<10000xf32, #tpu.memory_space<hbm>>)
      tpu.yield
    }) : () -> ()
    %add3A_60 = arith.constant 6080000 : i32
    %add3A_61 = arith.addi %add3A_60, %mul3A_2 : i32
    "tpu.region"() ({
      %run_scoped3A = tpu.sem_alloc : memref<!tpu.dma_semaphore, #tpu.memory_space<semaphore_mem>>
      %dma_start3A = tpu.memref_slice %arg4[%add3A_61] : memref<7680000xf32, #tpu.memory_space<hbm>> -> memref<10000xf32, #tpu.memory_space<hbm>>
      %dma_start3A_70 = tpu.memref_slice %arg4[%add3A_61] : memref<7680000xf32, #tpu.memory_space<hbm>> -> memref<10000xf32, #tpu.memory_space<hbm>>
      tpu.enqueue_dma source(%arg10 : memref<10000xf32, #tpu.memory_space<vmem>>) target(%dma_start3A_70 : memref<10000xf32, #tpu.memory_space<hbm>>) target_semaphore(%run_scoped3A : memref<!tpu.dma_semaphore, #tpu.memory_space<semaphore_mem>>)
      %dma_wait3A = tpu.memref_slice %arg4[%add3A_61] : memref<7680000xf32, #tpu.memory_space<hbm>> -> memref<10000xf32, #tpu.memory_space<hbm>>
      %dma_wait3A_71 = tpu.memref_slice %arg4[%add3A_61] : memref<7680000xf32, #tpu.memory_space<hbm>> -> memref<10000xf32, #tpu.memory_space<hbm>>
      tpu.wait_dma2 semaphore(%run_scoped3A : memref<!tpu.dma_semaphore, #tpu.memory_space<semaphore_mem>>) src(%arg10 : memref<10000xf32, #tpu.memory_space<vmem>>) dst(%dma_wait3A_71 : memref<10000xf32, #tpu.memory_space<hbm>>)
      tpu.yield
    }) : () -> ()
    %add3A_62 = arith.constant 6400000 : i32
    %add3A_63 = arith.addi %add3A_62, %mul3A_2 : i32
    "tpu.region"() ({
      %run_scoped3A = tpu.sem_alloc : memref<!tpu.dma_semaphore, #tpu.memory_space<semaphore_mem>>
      %dma_start3A = tpu.memref_slice %arg4[%add3A_63] : memref<7680000xf32, #tpu.memory_space<hbm>> -> memref<10000xf32, #tpu.memory_space<hbm>>
      %dma_start3A_70 = tpu.memref_slice %arg4[%add3A_63] : memref<7680000xf32, #tpu.memory_space<hbm>> -> memref<10000xf32, #tpu.memory_space<hbm>>
      tpu.enqueue_dma source(%arg11 : memref<10000xf32, #tpu.memory_space<vmem>>) target(%dma_start3A_70 : memref<10000xf32, #tpu.memory_space<hbm>>) target_semaphore(%run_scoped3A : memref<!tpu.dma_semaphore, #tpu.memory_space<semaphore_mem>>)
      %dma_wait3A = tpu.memref_slice %arg4[%add3A_63] : memref<7680000xf32, #tpu.memory_space<hbm>> -> memref<10000xf32, #tpu.memory_space<hbm>>
      %dma_wait3A_71 = tpu.memref_slice %arg4[%add3A_63] : memref<7680000xf32, #tpu.memory_space<hbm>> -> memref<10000xf32, #tpu.memory_space<hbm>>
      tpu.wait_dma2 semaphore(%run_scoped3A : memref<!tpu.dma_semaphore, #tpu.memory_space<semaphore_mem>>) src(%arg11 : memref<10000xf32, #tpu.memory_space<vmem>>) dst(%dma_wait3A_71 : memref<10000xf32, #tpu.memory_space<hbm>>)
      tpu.yield
    }) : () -> ()
    %add3A_64 = arith.constant 6720000 : i32
    %add3A_65 = arith.addi %add3A_64, %mul3A_2 : i32
    "tpu.region"() ({
      %run_scoped3A = tpu.sem_alloc : memref<!tpu.dma_semaphore, #tpu.memory_space<semaphore_mem>>
      %dma_start3A = tpu.memref_slice %arg4[%add3A_65] : memref<7680000xf32, #tpu.memory_space<hbm>> -> memref<10000xf32, #tpu.memory_space<hbm>>
      %dma_start3A_70 = tpu.memref_slice %arg4[%add3A_65] : memref<7680000xf32, #tpu.memory_space<hbm>> -> memref<10000xf32, #tpu.memory_space<hbm>>
      tpu.enqueue_dma source(%arg12 : memref<10000xf32, #tpu.memory_space<vmem>>) target(%dma_start3A_70 : memref<10000xf32, #tpu.memory_space<hbm>>) target_semaphore(%run_scoped3A : memref<!tpu.dma_semaphore, #tpu.memory_space<semaphore_mem>>)
      %dma_wait3A = tpu.memref_slice %arg4[%add3A_65] : memref<7680000xf32, #tpu.memory_space<hbm>> -> memref<10000xf32, #tpu.memory_space<hbm>>
      %dma_wait3A_71 = tpu.memref_slice %arg4[%add3A_65] : memref<7680000xf32, #tpu.memory_space<hbm>> -> memref<10000xf32, #tpu.memory_space<hbm>>
      tpu.wait_dma2 semaphore(%run_scoped3A : memref<!tpu.dma_semaphore, #tpu.memory_space<semaphore_mem>>) src(%arg12 : memref<10000xf32, #tpu.memory_space<vmem>>) dst(%dma_wait3A_71 : memref<10000xf32, #tpu.memory_space<hbm>>)
      tpu.yield
    }) : () -> ()
    %add3A_66 = arith.constant 7040000 : i32
    %add3A_67 = arith.addi %add3A_66, %mul3A_2 : i32
    "tpu.region"() ({
      %run_scoped3A = tpu.sem_alloc : memref<!tpu.dma_semaphore, #tpu.memory_space<semaphore_mem>>
      %dma_start3A = tpu.memref_slice %arg4[%add3A_67] : memref<7680000xf32, #tpu.memory_space<hbm>> -> memref<10000xf32, #tpu.memory_space<hbm>>
      %dma_start3A_70 = tpu.memref_slice %arg4[%add3A_67] : memref<7680000xf32, #tpu.memory_space<hbm>> -> memref<10000xf32, #tpu.memory_space<hbm>>
      tpu.enqueue_dma source(%arg13 : memref<10000xf32, #tpu.memory_space<vmem>>) target(%dma_start3A_70 : memref<10000xf32, #tpu.memory_space<hbm>>) target_semaphore(%run_scoped3A : memref<!tpu.dma_semaphore, #tpu.memory_space<semaphore_mem>>)
      %dma_wait3A = tpu.memref_slice %arg4[%add3A_67] : memref<7680000xf32, #tpu.memory_space<hbm>> -> memref<10000xf32, #tpu.memory_space<hbm>>
      %dma_wait3A_71 = tpu.memref_slice %arg4[%add3A_67] : memref<7680000xf32, #tpu.memory_space<hbm>> -> memref<10000xf32, #tpu.memory_space<hbm>>
      tpu.wait_dma2 semaphore(%run_scoped3A : memref<!tpu.dma_semaphore, #tpu.memory_space<semaphore_mem>>) src(%arg13 : memref<10000xf32, #tpu.memory_space<vmem>>) dst(%dma_wait3A_71 : memref<10000xf32, #tpu.memory_space<hbm>>)
      tpu.yield
    }) : () -> ()
    %add3A_68 = arith.constant 7360000 : i32
    %add3A_69 = arith.addi %add3A_68, %mul3A_2 : i32
    "tpu.region"() ({
      %run_scoped3A = tpu.sem_alloc : memref<!tpu.dma_semaphore, #tpu.memory_space<semaphore_mem>>
      %dma_start3A = tpu.memref_slice %arg4[%add3A_69] : memref<7680000xf32, #tpu.memory_space<hbm>> -> memref<10000xf32, #tpu.memory_space<hbm>>
      %dma_start3A_70 = tpu.memref_slice %arg4[%add3A_69] : memref<7680000xf32, #tpu.memory_space<hbm>> -> memref<10000xf32, #tpu.memory_space<hbm>>
      tpu.enqueue_dma source(%arg14 : memref<10000xf32, #tpu.memory_space<vmem>>) target(%dma_start3A_70 : memref<10000xf32, #tpu.memory_space<hbm>>) target_semaphore(%run_scoped3A : memref<!tpu.dma_semaphore, #tpu.memory_space<semaphore_mem>>)
      %dma_wait3A = tpu.memref_slice %arg4[%add3A_69] : memref<7680000xf32, #tpu.memory_space<hbm>> -> memref<10000xf32, #tpu.memory_space<hbm>>
      %dma_wait3A_71 = tpu.memref_slice %arg4[%add3A_69] : memref<7680000xf32, #tpu.memory_space<hbm>> -> memref<10000xf32, #tpu.memory_space<hbm>>
      tpu.wait_dma2 semaphore(%run_scoped3A : memref<!tpu.dma_semaphore, #tpu.memory_space<semaphore_mem>>) src(%arg14 : memref<10000xf32, #tpu.memory_space<vmem>>) dst(%dma_wait3A_71 : memref<10000xf32, #tpu.memory_space<hbm>>)
      tpu.yield
    }) : () -> ()
    return
  }
}

module attributes {stable_mosaic.version = 14 : i64} {
  func.func @body(%arg0: i32, %arg1: i32, %arg2: memref<1x3x64000xf32, #tpu.memory_space<vmem>>, %arg3: memref<1x3x64000xf32, #tpu.memory_space<vmem>>, %arg4: memref<16x8xf32, #tpu.memory_space<vmem>>, %arg5: memref<16x1xf32, #tpu.memory_space<vmem>>, %arg6: memref<16x1xf32, #tpu.memory_space<vmem>>, %arg7: memref<16x8xf32, #tpu.memory_space<vmem>>, %arg8: memref<8x8xf32, #tpu.memory_space<vmem>>) attributes {dimension_semantics = [#tpu.dimension_semantics<arbitrary>, #tpu.dimension_semantics<arbitrary>], iteration_bounds = array<i64: 4, 5>, scalar_prefetch = 0 : i64, scratch_operands = 1 : i64, tpu.core_type = #tpu.core_type<tc>, window_params = [{transform_indices = @transform_0, window_bounds = array<i64: 1, 3, 64000>}, {transform_indices = @transform_1, window_bounds = array<i64: 1, 3, 64000>}, {pipeline_mode = #tpu.pipeline_mode<synchronous>, transform_indices = @transform_2, window_bounds = array<i64: 16, 8>}, {pipeline_mode = #tpu.pipeline_mode<synchronous>, transform_indices = @transform_3, window_bounds = array<i64: 16, 1>}, {pipeline_mode = #tpu.pipeline_mode<synchronous>, transform_indices = @transform_4, window_bounds = array<i64: 16, 1>}, {pipeline_mode = #tpu.pipeline_mode<synchronous>, transform_indices = @transform_5, window_bounds = array<i64: 16, 8>}]} {
    %get3A = arith.constant 0 : index
    %get3A_0 = arith.constant 0 : index
    %get3A_1 = arith.constant 0 : index
    %get3A_2 = vector.load %arg2[%get3A, %get3A_0, %get3A_1] : memref<1x3x64000xf32, #tpu.memory_space<vmem>>, vector<1x3x64000xf32>
    %get3A_3 = vector.shape_cast %get3A_2 : vector<1x3x64000xf32> to vector<3x64000xf32>
    %get3A_4 = arith.constant 0 : index
    %get3A_5 = arith.constant 0 : index
    %get3A_6 = arith.constant 0 : index
    %get3A_7 = vector.load %arg3[%get3A_4, %get3A_5, %get3A_6] : memref<1x3x64000xf32, #tpu.memory_space<vmem>>, vector<1x3x64000xf32>
    %get3A_8 = vector.shape_cast %get3A_7 : vector<1x3x64000xf32> to vector<3x64000xf32>
    %sub3A = arith.subf %get3A_3, %get3A_8 : vector<3x64000xf32>
    %mul3A = arith.mulf %sub3A, %sub3A : vector<3x64000xf32>
    %reduce_sum3A = arith.constant dense<0.000000e+00> : vector<64000xf32>
    %reduce_sum3A_9 = vector.multi_reduction <add>, %mul3A, %reduce_sum3A [0] : vector<3x64000xf32> to vector<64000xf32>
    %broadcast_in_dim3A = vector.shape_cast %reduce_sum3A_9 : vector<64000xf32> to vector<1x64000xf32>
    %add3A = arith.constant 1.000000e-30 : f32
    %add3A_10 = vector.broadcast %add3A : f32 to vector<1x64000xf32>
    %add3A_11 = arith.addf %broadcast_in_dim3A, %add3A_10 : vector<1x64000xf32>
    %rsqrt3A = math.rsqrt %add3A_11 : vector<1x64000xf32>
    %mul3A_12 = arith.mulf %broadcast_in_dim3A, %rsqrt3A : vector<1x64000xf32>
    %broadcast_in_dim3A_13 = arith.constant 1.000000e+00 : f32
    %broadcast_in_dim3A_14 = vector.broadcast %broadcast_in_dim3A_13 : f32 to vector<1x64000xf32>
    %concatenate3A = tpu.concatenate %get3A_3, %get3A_8, %mul3A_12, %broadcast_in_dim3A_14 in 0 : vector<3x64000xf32>, vector<3x64000xf32>, vector<1x64000xf32>, vector<1x64000xf32> -> vector<8x64000xf32>
    %dot_general3A = arith.constant dense<0.000000e+00> : vector<8x8xf32>
    %dot_general3A_15 = tpu.matmul %concatenate3A, %concatenate3A, %dot_general3A {dimension_numbers = #tpu.dot_dimension_numbers<[1], [1], [0], [0], [0, 0, 1, 0], [], []>, transpose_lhs_hint = false} : vector<8x64000xf32>, vector<8x64000xf32>, vector<8x8xf32> -> vector<8x8xf32>
    %eq3A = arith.constant 0 : i32
    %eq3A_16 = arith.cmpi eq, %arg0, %eq3A : i32
    %eq3A_17 = arith.constant 0 : i32
    %eq3A_18 = arith.cmpi eq, %arg1, %eq3A_17 : i32
    %and3A = arith.andi %eq3A_16, %eq3A_18 : i1
    %convert_element_type3A = arith.extui %and3A : i1 to i32
    %cond3A = arith.constant 0 : i32
    %cond3A_19 = arith.cmpi ne, %convert_element_type3A, %cond3A : i32
    scf.if %cond3A_19 {
      %broadcast_in_dim3A_34 = arith.constant 0.000000e+00 : f32
      %broadcast_in_dim3A_35 = vector.broadcast %broadcast_in_dim3A_34 : f32 to vector<8x8xf32>
      %swap3A_36 = arith.constant 0 : index
      %swap3A_37 = arith.constant 0 : index
      %swap3A_38 = vector.load %arg8[%swap3A_36, %swap3A_37] : memref<8x8xf32, #tpu.memory_space<vmem>>, vector<8x8xf32>
      tpu.vector_store %arg8[%swap3A_36, %swap3A_37], %broadcast_in_dim3A_35 {strides = array<i32>} : memref<8x8xf32, #tpu.memory_space<vmem>>, vector<8x8xf32>,
    } else {
    }
    %get3A_20 = arith.constant 0 : index
    %get3A_21 = arith.constant 0 : index
    %get3A_22 = vector.load %arg8[%get3A_20, %get3A_21] : memref<8x8xf32, #tpu.memory_space<vmem>>, vector<8x8xf32>
    %add3A_23 = arith.addf %get3A_22, %dot_general3A_15 : vector<8x8xf32>
    %swap3A = arith.constant 0 : index
    %swap3A_24 = arith.constant 0 : index
    %swap3A_25 = vector.load %arg8[%swap3A, %swap3A_24] : memref<8x8xf32, #tpu.memory_space<vmem>>, vector<8x8xf32>
    tpu.vector_store %arg8[%swap3A, %swap3A_24], %add3A_23 {strides = array<i32>} : memref<8x8xf32, #tpu.memory_space<vmem>>, vector<8x8xf32>,
    %eq3A_26 = arith.constant 3 : i32
    %eq3A_27 = arith.cmpi eq, %arg0, %eq3A_26 : i32
    %eq3A_28 = arith.constant 4 : i32
    %eq3A_29 = arith.cmpi eq, %arg1, %eq3A_28 : i32
    %and3A_30 = arith.andi %eq3A_27, %eq3A_29 : i1
    %convert_element_type3A_31 = arith.extui %and3A_30 : i1 to i32
    %cond3A_32 = arith.constant 0 : i32
    %cond3A_33 = arith.cmpi ne, %convert_element_type3A_31, %cond3A_32 : i32
    scf.if %cond3A_33 {
      %get3A_34 = arith.constant 0 : index
      %get3A_35 = arith.constant 0 : index
      %get3A_36 = vector.load %arg4[%get3A_34, %get3A_35] : memref<16x8xf32, #tpu.memory_space<vmem>>, vector<16x8xf32>
      %get3A_37 = arith.constant 0 : index
      %get3A_38 = arith.constant 0 : index
      %get3A_39 = vector.load %arg8[%get3A_37, %get3A_38] : memref<8x8xf32, #tpu.memory_space<vmem>>, vector<8x8xf32>
      %dot_general3A_40 = arith.constant dense<0.000000e+00> : vector<16x8xf32>
      %dot_general3A_41 = tpu.matmul %get3A_36, %get3A_39, %dot_general3A_40 {dimension_numbers = #tpu.dot_dimension_numbers<[1], [0], [0], [1], [0, 0, 1, 1], [], []>, precision = #tpu.contract_precision<fp32>, transpose_lhs_hint = false} : vector<16x8xf32>, vector<8x8xf32>, vector<16x8xf32> -> vector<16x8xf32>
      %slice3A = vector.extract_strided_slice %dot_general3A_41 {offsets = [0, 7], sizes = [16, 1], strides = [1, 1]} : vector<16x8xf32> to vector<16x1xf32>
      %mul3A_42 = arith.constant 7.812500e-07 : f32
      %mul3A_43 = vector.broadcast %mul3A_42 : f32 to vector<16x1xf32>
      %mul3A_44 = arith.mulf %slice3A, %mul3A_43 : vector<16x1xf32>
      %mul3A_45 = arith.mulf %dot_general3A_41, %get3A_36 : vector<16x8xf32>
      %reduce_sum3A_46 = arith.constant dense<0.000000e+00> : vector<16xf32>
      %reduce_sum3A_47 = vector.multi_reduction <add>, %mul3A_45, %reduce_sum3A_46 [1] : vector<16x8xf32> to vector<16xf32>
      %broadcast_in_dim3A_48 = vector.shape_cast %reduce_sum3A_47 : vector<16xf32> to vector<16x1xf32>
      %mul3A_49 = arith.constant 7.812500e-07 : f32
      %mul3A_50 = vector.broadcast %mul3A_49 : f32 to vector<16x1xf32>
      %mul3A_51 = arith.mulf %broadcast_in_dim3A_48, %mul3A_50 : vector<16x1xf32>
      %mul3A_52 = arith.mulf %mul3A_44, %mul3A_44 : vector<16x1xf32>
      %sub3A_53 = arith.subf %mul3A_51, %mul3A_52 : vector<16x1xf32>
      %get3A_54 = arith.constant 0 : index
      %get3A_55 = arith.constant 0 : index
      %get3A_56 = vector.load %arg5[%get3A_54, %get3A_55] : memref<16x1xf32, #tpu.memory_space<vmem>>, vector<16x1xf32>
      %add3A_57 = arith.constant 9.99999974E-6 : f32
      %add3A_58 = vector.broadcast %add3A_57 : f32 to vector<16x1xf32>
      %add3A_59 = arith.addf %sub3A_53, %add3A_58 : vector<16x1xf32>
      %sqrt3A = math.sqrt %add3A_59 : vector<16x1xf32>
      %div3A = arith.divf %get3A_56, %sqrt3A : vector<16x1xf32>
      %get3A_60 = arith.constant 0 : index
      %get3A_61 = arith.constant 0 : index
      %get3A_62 = vector.load %arg6[%get3A_60, %get3A_61] : memref<16x1xf32, #tpu.memory_space<vmem>>, vector<16x1xf32>
      %mul3A_63 = arith.mulf %div3A, %mul3A_44 : vector<16x1xf32>
      %sub3A_64 = arith.subf %get3A_62, %mul3A_63 : vector<16x1xf32>
      %iota3A = tpu.iota {dimensions = array<i32: 1>} : vector<16x8xi32>
      %mul3A_65 = vector.broadcast %div3A : vector<16x1xf32> to vector<16x8xf32>
      %mul3A_66 = arith.mulf %mul3A_65, %get3A_36 : vector<16x8xf32>
      %eq3A_67 = arith.constant 7 : i32
      %eq3A_68 = vector.broadcast %eq3A_67 : i32 to vector<16x8xi32>
      %eq3A_69 = arith.cmpi eq, %iota3A, %eq3A_68 : vector<16x8xi32>
      %jit3A = arith.constant 0.000000e+00 : f32
      %broadcast_in_dim3A_70 = vector.shape_cast %sub3A_64 : vector<16x1xf32> to vector<16x1xf32>
      %broadcast_in_dim3A_71 = vector.broadcast %broadcast_in_dim3A_70 : vector<16x1xf32> to vector<16x8xf32>
      %broadcast_in_dim3A_72 = vector.broadcast %jit3A : f32 to vector<16x8xf32>
      %select_n3A = arith.select %eq3A_69, %broadcast_in_dim3A_71, %broadcast_in_dim3A_72 : vector<16x8xi1>, vector<16x8xf32>
      %add3A_73 = arith.addf %mul3A_66, %select_n3A : vector<16x8xf32>
      %swap3A_74 = arith.constant 0 : index
      %swap3A_75 = arith.constant 0 : index
      %swap3A_76 = vector.load %arg7[%swap3A_74, %swap3A_75] : memref<16x8xf32, #tpu.memory_space<vmem>>, vector<16x8xf32>
      tpu.vector_store %arg7[%swap3A_74, %swap3A_75], %add3A_73 {strides = array<i32>} : memref<16x8xf32, #tpu.memory_space<vmem>>, vector<16x8xf32>,
    } else {
    }
    return
  }
  func.func @transform_0(%arg0: i32, %arg1: i32) -> (i32, i32, i32) {
    %mul3A = arith.constant 2 : i32
    %mul3A_0 = arith.muli %mul3A, %arg0 : i32
    %c0_i32 = arith.constant 0 : i32
    %c0_i32_1 = arith.constant 0 : i32
    return %mul3A_0, %c0_i32, %arg1 : i32, i32, i32
  }
  func.func @transform_1(%arg0: i32, %arg1: i32) -> (i32, i32, i32) {
    %mul3A = arith.constant 2 : i32
    %mul3A_0 = arith.muli %mul3A, %arg0 : i32
    %add3A = arith.constant 1 : i32
    %add3A_1 = arith.addi %mul3A_0, %add3A : i32
    %c0_i32 = arith.constant 0 : i32
    %c0_i32_2 = arith.constant 0 : i32
    return %add3A_1, %c0_i32, %arg1 : i32, i32, i32
  }
  func.func @transform_2(%arg0: i32, %arg1: i32) -> (i32, i32) {
    %c0_i32 = arith.constant 0 : i32
    %c0_i32_0 = arith.constant 0 : i32
    %c0_i32_1 = arith.constant 0 : i32
    return %c0_i32, %c0_i32_0 : i32, i32
  }
  func.func @transform_3(%arg0: i32, %arg1: i32) -> (i32, i32) {
    %c0_i32 = arith.constant 0 : i32
    %c0_i32_0 = arith.constant 0 : i32
    %c0_i32_1 = arith.constant 0 : i32
    return %c0_i32, %c0_i32_0 : i32, i32
  }
  func.func @transform_4(%arg0: i32, %arg1: i32) -> (i32, i32) {
    %c0_i32 = arith.constant 0 : i32
    %c0_i32_0 = arith.constant 0 : i32
    %c0_i32_1 = arith.constant 0 : i32
    return %c0_i32, %c0_i32_0 : i32, i32
  }
  func.func @transform_5(%arg0: i32, %arg1: i32) -> (i32, i32) {
    %c0_i32 = arith.constant 0 : i32
    %c0_i32_0 = arith.constant 0 : i32
    %c0_i32_1 = arith.constant 0 : i32
    return %c0_i32, %c0_i32_0 : i32, i32
  }
}

module attributes {stable_mosaic.version = 14 : i64} {
  func.func @body(%arg0: i32, %arg1: i32, %arg2: memref<1x3x64000xf32, #tpu.memory_space<vmem>>, %arg3: memref<1x3x64000xf32, #tpu.memory_space<vmem>>, %arg4: memref<16x8xf32, #tpu.memory_space<vmem>>, %arg5: memref<1x16x64000xf32, #tpu.memory_space<vmem>>) attributes {dimension_semantics = [#tpu.dimension_semantics<arbitrary>, #tpu.dimension_semantics<arbitrary>], iteration_bounds = array<i64: 4, 5>, scalar_prefetch = 0 : i64, scratch_operands = 0 : i64, tpu.core_type = #tpu.core_type<tc>, window_params = [{transform_indices = @transform_0, window_bounds = array<i64: 1, 3, 64000>}, {transform_indices = @transform_1, window_bounds = array<i64: 1, 3, 64000>}, {pipeline_mode = #tpu.pipeline_mode<synchronous>, transform_indices = @transform_2, window_bounds = array<i64: 16, 8>}, {transform_indices = @transform_3, window_bounds = array<i64: 1, 16, 64000>}]} {
    %get3A = arith.constant 0 : index
    %get3A_0 = arith.constant 0 : index
    %get3A_1 = arith.constant 0 : index
    %get3A_2 = vector.load %arg2[%get3A, %get3A_0, %get3A_1] : memref<1x3x64000xf32, #tpu.memory_space<vmem>>, vector<1x3x64000xf32>
    %get3A_3 = vector.shape_cast %get3A_2 : vector<1x3x64000xf32> to vector<3x64000xf32>
    %get3A_4 = arith.constant 0 : index
    %get3A_5 = arith.constant 0 : index
    %get3A_6 = arith.constant 0 : index
    %get3A_7 = vector.load %arg3[%get3A_4, %get3A_5, %get3A_6] : memref<1x3x64000xf32, #tpu.memory_space<vmem>>, vector<1x3x64000xf32>
    %get3A_8 = vector.shape_cast %get3A_7 : vector<1x3x64000xf32> to vector<3x64000xf32>
    %sub3A = arith.subf %get3A_3, %get3A_8 : vector<3x64000xf32>
    %mul3A = arith.mulf %sub3A, %sub3A : vector<3x64000xf32>
    %reduce_sum3A = arith.constant dense<0.000000e+00> : vector<64000xf32>
    %reduce_sum3A_9 = vector.multi_reduction <add>, %mul3A, %reduce_sum3A [0] : vector<3x64000xf32> to vector<64000xf32>
    %broadcast_in_dim3A = vector.shape_cast %reduce_sum3A_9 : vector<64000xf32> to vector<1x64000xf32>
    %add3A = arith.constant 1.000000e-30 : f32
    %add3A_10 = vector.broadcast %add3A : f32 to vector<1x64000xf32>
    %add3A_11 = arith.addf %broadcast_in_dim3A, %add3A_10 : vector<1x64000xf32>
    %rsqrt3A = math.rsqrt %add3A_11 : vector<1x64000xf32>
    %mul3A_12 = arith.mulf %broadcast_in_dim3A, %rsqrt3A : vector<1x64000xf32>
    %broadcast_in_dim3A_13 = arith.constant 1.000000e+00 : f32
    %broadcast_in_dim3A_14 = vector.broadcast %broadcast_in_dim3A_13 : f32 to vector<1x64000xf32>
    %concatenate3A = tpu.concatenate %get3A_3, %get3A_8, %mul3A_12, %broadcast_in_dim3A_14 in 0 : vector<3x64000xf32>, vector<3x64000xf32>, vector<1x64000xf32>, vector<1x64000xf32> -> vector<8x64000xf32>
    %get3A_15 = arith.constant 0 : index
    %get3A_16 = arith.constant 0 : index
    %get3A_17 = vector.load %arg4[%get3A_15, %get3A_16] : memref<16x8xf32, #tpu.memory_space<vmem>>, vector<16x8xf32>
    %dot_general3A = arith.constant dense<0.000000e+00> : vector<16x64000xf32>
    %dot_general3A_18 = tpu.matmul %get3A_17, %concatenate3A, %dot_general3A {dimension_numbers = #tpu.dot_dimension_numbers<[1], [0], [0], [1], [0, 0, 1, 1], [], []>, transpose_lhs_hint = false} : vector<16x8xf32>, vector<8x64000xf32>, vector<16x64000xf32> -> vector<16x64000xf32>
    %mul3A_19 = arith.constant 0.00999999977 : f32
    %mul3A_20 = vector.broadcast %mul3A_19 : f32 to vector<16x64000xf32>
    %mul3A_21 = arith.mulf %mul3A_20, %dot_general3A_18 : vector<16x64000xf32>
    %max3A = arith.maximumf %dot_general3A_18, %mul3A_21 : vector<16x64000xf32>
    %swap3A = arith.constant 0 : index
    %swap3A_22 = arith.constant 0 : index
    %swap3A_23 = arith.constant 0 : index
    %swap3A_24 = vector.load %arg5[%swap3A, %swap3A_22, %swap3A_23] : memref<1x16x64000xf32, #tpu.memory_space<vmem>>, vector<1x16x64000xf32>
    %swap3A_25 = vector.shape_cast %swap3A_24 : vector<1x16x64000xf32> to vector<16x64000xf32>
    %swap3A_26 = vector.shape_cast %max3A : vector<16x64000xf32> to vector<1x16x64000xf32>
    tpu.vector_store %arg5[%swap3A, %swap3A_22, %swap3A_23], %swap3A_26 {strides = array<i32>} : memref<1x16x64000xf32, #tpu.memory_space<vmem>>, vector<1x16x64000xf32>,
    return
  }
  func.func @transform_0(%arg0: i32, %arg1: i32) -> (i32, i32, i32) {
    %mul3A = arith.constant 2 : i32
    %mul3A_0 = arith.muli %mul3A, %arg0 : i32
    %c0_i32 = arith.constant 0 : i32
    %c0_i32_1 = arith.constant 0 : i32
    return %mul3A_0, %c0_i32, %arg1 : i32, i32, i32
  }
  func.func @transform_1(%arg0: i32, %arg1: i32) -> (i32, i32, i32) {
    %mul3A = arith.constant 2 : i32
    %mul3A_0 = arith.muli %mul3A, %arg0 : i32
    %add3A = arith.constant 1 : i32
    %add3A_1 = arith.addi %mul3A_0, %add3A : i32
    %c0_i32 = arith.constant 0 : i32
    %c0_i32_2 = arith.constant 0 : i32
    return %add3A_1, %c0_i32, %arg1 : i32, i32, i32
  }
  func.func @transform_2(%arg0: i32, %arg1: i32) -> (i32, i32) {
    %c0_i32 = arith.constant 0 : i32
    %c0_i32_0 = arith.constant 0 : i32
    %c0_i32_1 = arith.constant 0 : i32
    return %c0_i32, %c0_i32_0 : i32, i32
  }
  func.func @transform_3(%arg0: i32, %arg1: i32) -> (i32, i32, i32) {
    %c0_i32 = arith.constant 0 : i32
    %c0_i32_0 = arith.constant 0 : i32
    return %arg0, %c0_i32, %arg1 : i32, i32, i32
  }
}

</mosaic_0001>

<sc_bundles>
// kernel: kernel.5.cloned.1.call-start
scs
__scs_entry_jumppad:
0x0: {  	(pc) =	sbr.rel $0x88, $3  }
0x1: {  	(tag) =	ssettag $0x0;
	lr =	simm.s32 $0x1  }
0x2: {  	[smem:$0x3F9B] =	sst lr;
	_ =	strace $0xD0000000  }
0x3: {  	_ = 	snop  }
0x4: {  	_ = 	snop  }
0x5: {  	_ = 	snop  }
0x6: {  	_ = 	snop  }
0x7: {  	_ = 	snop  }
__scs_overlays_trampoline_lowered:
0x8: {  	[smem:$0x3FAA] =	sst s0  }
0x9: {  	[smem:$0x3FAB] =	sst s1  }
0xa: {  	[smem:$0x3FAC] =	sst s2  }
0xb: {  	[smem:$0x3FAD] =	sst s3  }
0xc: {  	[smem:$0x3FAE] =	sst s4  }
0xd: {  	[smem:$0x3FAF] =	sst s5  }
0xe: {  	[smem:$0x3FB0] =	sst s6  }
0xf: {  	[smem:$0x3FB1] =	sst s7  }
0x10: {  	[smem:$0x3FB2] =	sst s8  }
0x11: {  	[smem:$0x3FB3] =	sst s9;
	s0 =	simm.s32 @!p0 $0x0  }
0x12: {  	s1 =	sld [smem:$0x3F99];
	s0 =	simm.s32 @p0 $0x1  }
0x13: {  	[smem:$0x3FB4] =	sst s0;
	s0 =	simm.s32 @!p1 $0x0  }
0x14: {  	s2 =	sld [smem:$0x3F98];
	s0 =	simm.s32 @p1 $0x1  }
0x15: {  	[smem:$0x3FB5] =	sst s0;
	s0 =	simm.s32 @!p2 $0x0  }
0x16: {  	s3 =	sld [smem:$0x3FDB];
	s0 =	simm.s32 @p2 $0x1  }
0x17: {  	s4 =	simm.s32 $0x1BF5;
	[smem:$0x3FB7] =	sst s0  }
0x18: {  	s0 =	sld [smem:$0x3F9A];
	_ =	swait.ge [sflag:s4], $0x0  }
0x19: {  	s7 =	sld [smem:$0x3F9B]  }
0x1a: {  	s8 =	sadd.s32 $0xFFFFE003, lr  }
0x1b: {  	s9 =	sadd.s32 $0xFFFFFEF7, lr;
	s5 =	simm.s32 $0xFFFFFFFF;
	p2 =	slt.u32 s8, $0xFFFFF086  }
0x1c: {  	p1 =	slt.u32 s9, $0xF7A;
	s5 =	simm.s32 @!p2 $0x0  }
0x1d: {  	s5 =	simm.s32 @p1 $0x1;
	p0 =	seq.s32 s7, s2  }
0x1e: {  	s7 =	smul.u32 @!p0 $0xF7A, s2;
	p2 =	seq.s32 @!p0 s5, $0x0  }
0x1f: {  	s9 =	smul.u32 $0xF7A, s1;
	s8 =	simm.s32 @!p0 $0x1BF5;
	p2 =	por !p2, p0  }
0x20: {  	[sflag:s8] =	ssyncset.s32 @!p0 $0xFFFFF086;
	s6 =	sadd.s32 @!p0 s3, s7;
	s7 =	simm.s32 @!p0 $0x108  }
0x21: {  	s3 =	sadd.s32 s3, s9;
	s6 =	sadd.s32 @!p0 $0x88, s6;
	s7 =	simm.s32 @p2 $0x1082  }
0x22: {  	[simem:s7], [sflag:s8] =	dma.local @!p0 [hbm:s6], $0xF7A  }
0x23: {  	s9 =	sor.u32 $0xD0000000, s2;
	s6 =	simm.s32 $0x108;
	_ =	swait.ge @!p0 [sflag:s8], $0x0  }
0x24: {  	s3 =	sadd.s32 $0x88, s3;
	s6 =	simm.s32 @!p1 $0x1082;
	[sflag:s4] =	ssyncset.s32 $0xFFFFF086  }
0x25: {  	[simem:s6], [sflag:s4] =	dma.local [hbm:s3], $0xF7A  }
0x26: {  	[smem:$0x3F9B] =	sst s1;
	(tag) =	ssettag s2;
	_ =	strace s9  }
0x27: {  	s1 =	sld [smem:$0x3FAB]  }
0x28: {  	s2 =	sld [smem:$0x3FAC]  }
0x29: {  	s4 =	sld [smem:$0x3FAE]  }
0x2a: {  	p0 =	seq.s32 s5, $0x0;
	s5 =	sld [smem:$0x3FAF]  }
0x2b: {  	s6 =	sld [smem:$0x3FB0]  }
0x2c: {  	s7 =	sld [smem:$0x3FB1]  }
0x2d: {  	s3 =	simm.s32 $0x108;
	s8 =	sld [smem:$0x3FB2]  }
0x2e: {  	s3 =	simm.s32 @!p0 $0x1082;
	s9 =	sld [smem:$0x3FB3]  }
0x2f: {  	lr =	sadd.s32 s0, s3;
	s0 =	sld [smem:$0x3FAA]  }
0x30: {  	s3 =	sld [smem:$0x3FAD]  }
0x31: {  	[smem:$0x3FB6] =	sst s10  }
0x32: {  	s10 =	sld [smem:$0x3FB4];
	_ =	sdelay $0x3  }
0x33: {  	p0 =	seq.s32 s10, $0x1;
	s10 =	sld [smem:$0x3FB6];
	_ =	sdelay $0x3  }
0x34: {  	[smem:$0x3FB6] =	sst s10  }
0x35: {  	s10 =	sld [smem:$0x3FB5];
	_ =	sdelay $0x3  }
0x36: {  	p1 =	seq.s32 s10, $0x1;
	s10 =	sld [smem:$0x3FB6];
	_ =	sdelay $0x3  }
0x37: {  	[smem:$0x3FB6] =	sst s10  }
0x38: {  	s10 =	sld [smem:$0x3FB7]  }
0x39: {  	_ = 	snop;
	(pc) =	sbr.ind lr, $3  }
0x3a: {  	_ = 	snop  }
0x3b: {  	_ = 	snop  }
0x3c: {  	p2 =	seq.s32 s10, $0x1;
	s10 =	sld [smem:$0x3FB6]  }
0x3d: {  	_ =	shalt  }
0x3e: {  	_ =	shalt  }
0x3f: {  	_ =	shalt  }
0x40: {  	_ =	shalt  }
0x41: {  	_ =	shalt  }
0x42: {  	_ =	shalt  }
0x43: {  	_ =	shalt  }
0x44: {  	_ =	shalt  }
0x45: {  	_ =	shalt  }
0x46: {  	_ =	shalt  }
0x47: {  	_ =	shalt  }
0x48: {  	_ =	shalt  }
0x49: {  	_ =	shalt  }
0x4a: {  	_ =	shalt  }
0x4b: {  	_ =	shalt  }
0x4c: {  	_ =	shalt  }
0x4d: {  	_ =	shalt  }
0x4e: {  	_ =	shalt  }
0x4f: {  	_ =	shalt  }
0x50: {  	_ =	shalt  }
0x51: {  	_ =	shalt  }
0x52: {  	_ =	shalt  }
0x53: {  	_ =	shalt  }
0x54: {  	_ =	shalt  }
0x55: {  	_ =	shalt  }
0x56: {  	_ =	shalt  }
0x57: {  	_ =	shalt  }
0x58: {  	_ =	shalt  }
0x59: {  	_ =	shalt  }
0x5a: {  	_ =	shalt  }
0x5b: {  	_ =	shalt  }
0x5c: {  	_ =	shalt  }
0x5d: {  	_ =	shalt  }
0x5e: {  	_ =	shalt  }
0x5f: {  	_ =	shalt  }
0x60: {  	_ =	shalt  }
0x61: {  	_ =	shalt  }
0x62: {  	_ =	shalt  }
0x63: {  	_ =	shalt  }
0x64: {  	_ =	shalt  }
0x65: {  	_ =	shalt  }
0x66: {  	_ =	shalt  }
0x67: {  	_ =	shalt  }
0x68: {  	_ =	shalt  }
0x69: {  	_ =	shalt  }
0x6a: {  	_ =	shalt  }
0x6b: {  	_ =	shalt  }
0x6c: {  	_ =	shalt  }
0x6d: {  	_ =	shalt  }
0x6e: {  	_ =	shalt  }
0x6f: {  	_ =	shalt  }
0x70: {  	_ =	shalt  }
0x71: {  	_ =	shalt  }
0x72: {  	_ =	shalt  }
0x73: {  	_ =	shalt  }
0x74: {  	_ =	shalt  }
0x75: {  	_ =	shalt  }
0x76: {  	_ =	shalt  }
0x77: {  	_ =	shalt  }
0x78: {  	_ =	shalt  }
0x79: {  	_ =	shalt  }
0x7a: {  	_ =	shalt  }
0x7b: {  	_ =	shalt  }
0x7c: {  	_ =	shalt  }
0x7d: {  	_ =	shalt  }
0x7e: {  	_ =	shalt  }
0x7f: {  	_ =	shalt  }
0x80: {  	_ =	shalt  }
0x81: {  	_ =	shalt  }
0x82: {  	_ =	shalt  }
0x83: {  	_ =	shalt  }
0x84: {  	_ =	shalt  }
0x85: {  	_ =	shalt  }
0x86: {  	_ =	shalt  }
0x87: {  	_ =	shalt  }
.Lfunc_end0:
.L_simem_size_0:
called_computation_lowered:
.L_overlay_start_0:
0x88: {  	s2 =	sld [smem:$0x3FD9]  }
0x89: {  	s3 =	sld [smem:$0x3FFE];
	_ =	sdelay $0x1  }
0x8a: {  	s1 =	srdreg.scid  }
0x8b: {  	s0 =	sand.u32 $0x1, s1  }
0x8c: {  	s17 =	sshll.u32 s0, $0xA;
	s2 =	sadd.s32 s3, s2  }
0x8d: {  	s2 =	sadd.s32 s2, s17  }
0x8e: {  	[smem:$0x3FC2] =	sst s2  }
0x8f: {  	_ = 	snop  }
0x90: {  	s2 =	sld [smem:$0x3FD0];
	(tm) =	ssettm $0x1  }
0x91: {  	s18 =	sld [smem:$0x3FFB];
	_ =	sdelay $0x3  }
0x92: {  	_ =	strace s18  }
0x93: {  	s3 =	sld [smem:$0x3FFC];
	_ =	sdelay $0x3  }
0x94: {  	_ =	strace s3  }
0x95: {  	s3 =	sld [smem:$0x3FFD];
	_ =	sdelay $0x3  }
0x96: {  	_ =	strace s3  }
0x97: {  	_ =	strace $0x8FFFFFFF  }
0x98: {  	s19 =	sld [smem:$0x3FDB];
	_ =	sdelay $0x1  }
0x99: {  	s4 =	simm.s32 $_scs_section_size  }
0x9a: {  	s5 =	simm.s32 $_size__tile_overlayer_lowered;
	s6 =	simm.s32 $_tile_overlayer_lowered  }
0x9b: {  	s22 =	simm.s32 $0x1BFF;
	s21 =	sshll.u32 s6, $0x1;
	s3 =	sadd.s32 s4, s19  }
0x9c: {  	s7 =	simm.s32 $0x0;
	s20 =	sshll.u32 s5, $0x1;
	s5 =	sadd.s32 s21, s3  }
0x9d: {  	[timem:s7], [sflag:s22] =	dma.local [hbm:s5], s20  }
0x9e: {  	_ =	swait.ge [sflag:s22], s20  }
0x9f: {  	s4 =	ssub.s32 $0x0, s20;
	[sflag:s22] =	ssyncset.done $0x0  }
0xa0: {  	[sflag:s22] =	ssyncadd.s32 s4;
	_ =	sdelay $0x1  }
0xa1: {  	s23 =	simm.s32 $0x1B8B  }
0xa2: {  	_ =	swait.ge [sflag:s23], $0x1  }
0xa3: {  	[sflag:s23] =	ssyncset.done $0x0  }
0xa4: {  	s25 =	simm.s32 $0x1B8E;
	s24 =	sld [smem:$0x3FFE];
	[sflag:s23] =	ssyncadd.s32 $0xFFFFFFFF  }
0xa5: {  	s26 =	simm.s32 $execute0_lowered;
	[smem:$0x3FD2] =	sst s25  }
0xa6: {  	s5 =	sshll.u32 s26, $0x1;
	_ =	strace $0x80000046;
	[dreg:$0x1] =	wrdreg $0xFFFFFFFF  }
0xa7: {  	s28 =	simm.s32 $_size_execute0_lowered;
	s3 =	sadd.s32 s3, s5;
	[dreg:$0x0] =	wrdreg $0x0  }
0xa8: {  	s5 =	sshll.u32 s28, $0x1;
	[dreg:$0x2] =	wrdreg s3  }
0xa9: {  	[dreg:$0x3] =	wrdreg s5  }
0xaa: {  	[dreg:$0x4] =	wrdreg $0xC0  }
0xab: {  	_ =	task [dreg:s7], $0x5FFFF  }
0xac: {  	[dreg:$0x1] =	wrdreg $0xFFFFFFFF  }
0xad: {  	[dreg:$0x0] =	wrdreg $0x60  }
0xae: {  	[dreg:$0x2] =	wrdreg s24  }
0xaf: {  	[dreg:$0x3] =	wrdreg s2  }
0xb0: {  	[dreg:$0x4] =	wrdreg $0x9  }
0xb1: {  	_ =	task.clear_ibuf [dreg:s7], $0x5FFFF;
	_ =	strace $0x90000046  }
0xb2: {  	s29 =	simm.s32 $0x9;
	_ =	strace $0x80000048  }
0xb3: {  	_ =	swait.ge [sflag:s29], $0x1  }
0xb4: {  	[sflag:s29] =	ssyncadd.s32 $0xFFFFFFFF  }
0xb5: {  	_ =	strace $0x90000048  }
0xb6: {  	_ =	sfence  }
0xb7: {  	s30 =	sld [smem:$0x0];
	_ =	sdelay $0x2  }
0xb8: {  	s31 =	sshll.u32 s1, $0xD;
	s1 =	sshrl.u32 s1, $0x2  }
0xb9: {  	s3 =	sand.u32 $0x4000, s31;
	s1 =	sadd.s32 s1, s30  }
0xba: {  	s0 =	sor.u32 s3, s0;
	s1 =	sshll.u32 s1, $0x11  }
0xbb: {  	s0 =	sor.u32 s1, s0  }
0xbc: {  	s0 =	sadd.s32 $0x8F2B, s0  }
0xbd: {  	[sflag:s0] =	ssyncadd.remote.s32 $0x1  }
0xbe: {  	_ =	sfence.sel $0xFFFF  }
0xbf: {  	[dreg:$0x0] =	wrdreg $0xFFFFFFFF;
	(pc) =	sbr.abs _section_cstart, $3  }
0xc0: {  	[dreg:$0x1] =	wrdreg $0xFFFFFFFF  }
0xc1: {  	_ =	task.clear_ibuf [dreg:s7], $0x2FFFF;
	_ =	strace $0x9FFFFFFF  }
0xc2: {  	(tm) =	ssettm $0x7FFFFFFF  }
0xc3: {  	_ =	shalt  }
tec
execute0_lowered:
.L_overlay_start_1:
0x0: {  	(tag) =	ssettag $0x1  }
0x1: {  	s0 =	rddreg [dreg:$0x0];
	s1 =	srdreg.scid  }
0x2: {  	s11 =	stileid.u32;
	s3 =	rddreg [dreg:$0x1];
	s2 =	simm.s32 $0x0  }
0x3: {  	s1 =	sand.u32 $0x1, s1;
	[smem:$0x7FF] =	sst s2;
	s9 =	sadd.s32 $0xE00, s0  }
0x4: {  	s16 =	sadd.s32 $0x12E2, s0;
	_ =	strace $0x80000047;
	[dreg:$0x3] =	wrdreg s9  }
0x5: {  	s4 =	sshll.u32 s11, $0x1;
	s17 =	sadd.s32 $0x17C4, s0;
	[dreg:$0x5] =	wrdreg s16  }
0x6: {  	s6 =	sadd.s32 $0x4A00, s0;
	s21 =	sadd.s32 $0x1CA6, s0;
	[dreg:$0x6] =	wrdreg s17  }
0x7: {  	s22 =	sadd.s32 $0x2188, s0;
	s23 =	sadd.s32 $0x266A, s0;
	[dreg:$0xb] =	wrdreg s21  }
0x8: {  	s26 =	sadd.s32 $0x2B4C, s0;
	s29 =	sadd.s32 $0x302E, s0;
	[dreg:$0xc] =	wrdreg s22  }
0x9: {  	s30 =	sadd.s32 $0x3510, s0;
	s4 =	sor.u32 s1, s4;
	[dreg:$0xd] =	wrdreg s23  }
0xa: {  	s5 =	ssub.s32 $0x2, s1;
	[dreg:$0xf] =	wrdreg s26;
	s4 =	smul.u32 $0x2710, s4  }
0xb: {  	s31 =	sadd.s32 $0x39F2, s0;
	[dreg:$0x10] =	wrdreg s29;
	s7 =	sshrl.u32 s5, $0x1  }
0xc: {  	[dreg:$0x11] =	wrdreg s30;
	s5 =	ssub.s32 s5, s7;
	s8 =	sshrl.u32 s4, $0x3  }
0xd: {  	[dreg:$0x13] =	wrdreg s31;
	s9 =	smax.u32 s5, $0x1;
	s15 =	sadd.s32 s6, s8  }
0xe: {  	s7 =	sadd.s32 s3, s8;
	s18 =	sadd.s32 $0x9C40, s8;
	[dreg:$0x16] =	wrdreg s9  }
0xf: {  	s10 =	sadd.s32 $0x13880, s8;
	[dreg:$0x4] =	wrdreg s15;
	s12 =	sadd.s32 s3, s18  }
0x10: {  	s8 =	sadd.s32 $0x1D4C0, s8;
	s19 =	sadd.s32 s3, s10;
	[dreg:$0x7] =	wrdreg s12  }
0x11: {  	s3 =	sadd.s32 s3, s8;
	[dreg:$0x8] =	wrdreg s19  }
0x12: {  	s20 =	sadd.s32 s6, s18;
	[dreg:$0x9] =	wrdreg s3  }
0x13: {  	s25 =	sadd.s32 s6, s10;
	[dreg:$0xa] =	wrdreg s20  }
0x14: {  	s6 =	sadd.s32 s6, s8;
	[dreg:$0xe] =	wrdreg s25  }
0x15: {  	s8 =	sadd.s32 $0x3ED4, s0;
	[dreg:$0x12] =	wrdreg s6  }
0x16: {  	s0 =	sadd.s32 $0x43B6, s0;
	[dreg:$0x14] =	wrdreg s8  }
0x17: {  	s10 =	sadd.s32 $0x27100, s7;
	[dreg:$0x15] =	wrdreg s0  }
0x18: {  	s24 =	smul.u32 $0x4E20, s11;
	s11 =	sadd.s32 $0x30D40, s7;
	[dreg:$0x17] =	wrdreg s10  }
0x19: {  	s13 =	sadd.s32 $0x445C0, s7;
	[dreg:$0x18] =	wrdreg s11  }
0x1a: {  	s14 =	sadd.s32 $0x4E200, s7;
	[dreg:$0x1a] =	wrdreg s13  }
0x1b: {  	s15 =	sadd.s32 $0x57E40, s7;
	[dreg:$0x1b] =	wrdreg s14  }
0x1c: {  	s16 =	sadd.s32 $0x61A80, s7;
	[dreg:$0x1c] =	wrdreg s15  }
0x1d: {  	s17 =	sadd.s32 $0x6B6C0, s7;
	[dreg:$0x1d] =	wrdreg s16  }
0x1e: {  	s18 =	sadd.s32 $0x75300, s7;
	[dreg:$0x1e] =	wrdreg s17  }
0x1f: {  	s1 =	smul.u32 $0x2710, s1;
	s22 =	sadd.s32 $0x927C0, s7;
	[dreg:$0x1f] =	wrdreg s18  }
0x20: {  	s23 =	sadd.s32 $0x9C400, s7;
	[smem:$0x7F6] =	sst s22  }
0x21: {  	s21 =	sadd.s32 s1, s24;
	s24 =	sadd.s32 $0xA6040, s7;
	[smem:$0x7F7] =	sst s23  }
0x22: {  	s28 =	simm.s32 $0x0;
	s26 =	sadd.s32 $0xB98C0, s7;
	[smem:$0x7F8] =	sst s24  }
0x23: {  	s4 =	sadd.s32 $0x2700, s4;
	s29 =	sadd.s32 $0xC3500, s7;
	[smem:$0x7FA] =	sst s26  }
0x24: {  	s30 =	sadd.s32 $0xCD140, s7;
	s31 =	sadd.s32 $0xD6D80, s7;
	[smem:$0x7FB] =	sst s29  }
0x25: {  	s12 =	sadd.s32 $0x3A980, s7;
	s19 =	sadd.s32 $0x7EF40, s7;
	[smem:$0x7FC] =	sst s30  }
0x26: {  	s20 =	sadd.s32 $0x88B80, s7;
	s25 =	sadd.s32 $0xAFC80, s7;
	[smem:$0x7FD] =	sst s31  }
0x27: {  	s15 =	sadd.s32 $0xE09C0, s7;
	s16 =	simm.s32 $0x7680;
	[dreg:$0x19] =	wrdreg s12  }
0x28: {  	s17 =	simm.s32 $0x1;
	s18 =	simm.s32 $0x2780;
	[smem:$0x7F4] =	sst s19  }
0x29: {  	v0 =	vmov s4;
	s22 =	simm.s32 $0xC580;
	s23 =	simm.s32 $0xED00;
	[smem:$0x7F5] =	sst s20  }
0x2a: {  	v0 =	vshrl.u32 v0, $0x5;
	s24 =	simm.s32 $0x11480;
	s26 =	simm.s32 $0x16380;
	[smem:$0x7F9] =	sst s25  }
0x2b: {  	v0 =	vbroadcast v0, $0x0;
	s19 =	simm.s32 $0x4F00;
	s20 =	simm.s32 $0x9E00;
	s25 =	simm.s32 $0x13C00  }
.LBB2_1:
0x2c: {  	s0 =	rddreg [dreg:$0x4]  }
0x2d: {  	[tilespmem:s16], [sflag:$0x1] =	stream.linear.gather [hbm4b:s0+s2], $0x2710, $0x38;
	[tilespmem:$0x18B00] =	vst v63  }
0x2e: {  	_ =	swait.ge [sflag:s17], $0x2710  }
0x2f: {  	[sflag:s17] =	ssyncset.done $0x0  }
0x30: {  	s1 =	rddreg [dreg:$0x3];
	[sflag:s17] =	ssyncadd.s32 $0xFFFFD8F0  }
0x31: {  	[tilespmem:s2], [sflag:$0x1] =	stream.linear.gather [hbm4b:s1+s2], $0x2710, $0x38;
	[tilespmem:$0x18B00] =	vst v63  }
0x32: {  	_ =	swait.ge [sflag:s17], $0x2710  }
0x33: {  	[sflag:s17] =	ssyncset.done $0x0  }
0x34: {  	s3 =	rddreg [dreg:$0x5];
	[sflag:s17] =	ssyncadd.s32 $0xFFFFD8F0  }
0x35: {  	[tilespmem:s18], [sflag:$0x1] =	stream.linear.gather [hbm4b:s3+s2], $0x2710, $0x38;
	[tilespmem:$0x18B00] =	vst v63  }
0x36: {  	_ =	swait.ge [sflag:s17], $0x2710  }
0x37: {  	s5 =	sadd.s32 $0xFFFFFF80, s21;
	[sflag:s17] =	ssyncset.done $0x0  }
0x38: {  	s1 =	sadd.s32 $0xD0, s5;
	s4 =	rddreg [dreg:$0x6];
	[sflag:s17] =	ssyncadd.s32 $0xFFFFD8F0  }
0x39: {  	[tilespmem:s19], [sflag:$0x1] =	stream.linear.gather [hbm4b:s4+s2], $0x2710, $0x38;
	[tilespmem:$0x18B00] =	vst v63  }
0x3a: {  	v1 =	vmov s1;
	_ =	swait.ge [sflag:s17], $0x2710  }
0x3b: {  	s6 =	sadd.s32 $0xB0, s5;
	v3 =	vshrl.u32 v1, $0x5;
	[sflag:s17] =	ssyncset.done $0x0  }
0x3c: {  	s9 =	sadd.s32 $0x80, s5;
	v5 =	vbroadcast v3, $0x0;
	v3 =	vmov s6;
	s3 =	simm.s32 $0x76C0;
	[sflag:s17] =	ssyncadd.s32 $0xFFFFD8F0  }
0x3d: {  	v8 =	vmov s9;
	v3 =	vshrl.u32 v3, $0x5;
	v4 =	vld [tilespmem:s3+$0x30]  }
0x3e: {  	s10 =	sadd.s32 $0x90, s5;
	v9 =	vbroadcast v3, $0x0;
	v3 =	vshrl.u32 v8, $0x5;
	v1 =	vld [tilespmem:s3+$0xFFFFFFF0]  }
0x3f: {  	s11 =	sadd.s32 $0xA0, s5;
	v8 =	vmov s10;
	v14 =	vbroadcast v3, $0x0;
	v7 =	vld [tilespmem:s3+$0xFFFFFFD0]  }
0x40: {  	s0 =	sadd.s32 $0xC0, s5;
	v13 =	vmov s11;
	v3 =	vshrl.u32 v8, $0x5;
	v11 =	vld [tilespmem:s3+$0xFFFFFFE0]  }
0x41: {  	v51 =	vmov s0;
	v8 =	vshrl.u32 v13, $0x5;
	v15 =	vbroadcast v3, $0x0;
	s4 =	sadd.s32 $0xE0, s5;
	v12 =	vld [tilespmem:s3+$0x0]  }
0x42: {  	v8 =	vbroadcast v8, $0x0;
	v3 =	vshrl.u32 v51, $0x5;
	v2 =	vmov s4;
	v16 =	vld [tilespmem:s3+$0x10]  }
0x43: {  	s8 =	sadd.s32 $0xF0, s5;
	v17 =	vbroadcast v3, $0x0;
	v2 =	vshrl.u32 v2, $0x5;
	v52 =	vld.idx.msk [tilespmem:v5+s2+$0x0], $0xffff  }
0x44: {  	v6 =	vbroadcast v2, $0x0;
	v2 =	vmov s8;
	v18 =	vld.idx.msk [tilespmem:v9+s2+$0x0], $0xffff  }
0x45: {  	v2 =	vshrl.u32 v2, $0x5;
	v20 =	vld.idx.msk [tilespmem:v14+s2+$0x0], $0xffff  }
0x46: {  	v10 =	vbroadcast v2, $0x0;
	v2 =	vld [tilespmem:s3+$0x20]  }
0x47: {  	v21 =	vld.idx.msk [tilespmem:v15+s2+$0x0], $0xffff  }
0x48: {  	v22 =	vld.idx.msk [tilespmem:v8+s2+$0x0], $0xffff  }
0x49: {  	s29 =	simm.s32 $0x9E40;
	v23 =	vld.idx.msk [tilespmem:v17+s2+$0x0], $0xffff  }
0x4a: {  	v3 =	vld.idx.msk [tilespmem:v6+s2+$0x0], $0xffff;
	[tilespmem:s29+$0xFFFFFFF0] =	vst v18  }
0x4b: {  	[tilespmem:s29+$0x10] =	vst v52;
	v24 =	vld.idx.msk [tilespmem:v9+s18+$0x0], $0xffff  }
0x4c: {  	[tilespmem:s29+$0xFFFFFFD0] =	vst v21;
	v55 =	vld.idx.msk [tilespmem:v5+s18+$0x0], $0xffff  }
0x4d: {  	[tilespmem:s29+$0xFFFFFFE0] =	vst v22;
	v19 =	vld.idx.msk [tilespmem:v10+s2+$0x0], $0xffff  }
0x4e: {  	v56 =	vld.idx.msk [tilespmem:v8+s18+$0x0], $0xffff;
	[tilespmem:s29+$0x0] =	vst v23  }
0x4f: {  	v57 =	vld.idx.msk [tilespmem:v15+s18+$0x0], $0xffff;
	[tilespmem:s29+$0x20] =	vst v3  }
0x50: {  	s12 =	simm.s32 $0xC5C0;
	v3 =	vld [tilespmem:s3+$0xFFFFFFC0];
	[tilespmem:s29+$0xFFFFFFC0] =	vst v20  }
0x51: {  	v58 =	vld.idx.msk [tilespmem:v17+s18+$0x0], $0xffff;
	[tilespmem:s12+$0xFFFFFFF0] =	vst v24  }
0x52: {  	v53 =	vld.idx.msk [tilespmem:v6+s18+$0x0], $0xffff;
	[tilespmem:s12+$0x10] =	vst v55  }
0x53: {  	v59 =	vld.idx.msk [tilespmem:v14+s18+$0x0], $0xffff;
	[tilespmem:s29+$0x30] =	vst v19  }
0x54: {  	v9 =	vld.idx.msk [tilespmem:v9+s19+$0x0], $0xffff;
	[tilespmem:s12+$0xFFFFFFE0] =	vst v56  }
0x55: {  	[tilespmem:s12+$0xFFFFFFD0] =	vst v57;
	v54 =	vld.idx.msk [tilespmem:v10+s18+$0x0], $0xffff  }
0x56: {  	v15 =	vld.idx.msk [tilespmem:v15+s19+$0x0], $0xffff;
	[tilespmem:s12+$0x0] =	vst v58  }
0x57: {  	v5 =	vld.idx.msk [tilespmem:v5+s19+$0x0], $0xffff;
	[tilespmem:s12+$0x20] =	vst v53  }
0x58: {  	s13 =	simm.s32 $0xED40;
	[tilespmem:s12+$0xFFFFFFC0] =	vst v59;
	v6 =	vld.idx.msk [tilespmem:v6+s19+$0x0], $0xffff  }
0x59: {  	[tilespmem:s13+$0xFFFFFFF0] =	vst v9;
	v9 =	vld.idx.msk [tilespmem:v14+s19+$0x0], $0xffff  }
0x5a: {  	v17 =	vld.idx.msk [tilespmem:v17+s19+$0x0], $0xffff;
	[tilespmem:s12+$0x30] =	vst v54  }
0x5b: {  	[tilespmem:s13+$0xFFFFFFD0] =	vst v15;
	v10 =	vld.idx.msk [tilespmem:v10+s19+$0x0], $0xffff  }
0x5c: {  	[tilespmem:s13+$0x10] =	vst v5;
	v60 =	vld.idx.msk [tilespmem:v7+s2+$0x0], $0xffff  }
0x5d: {  	[tilespmem:s13+$0x20] =	vst v6;
	v6 =	vld.idx.msk [tilespmem:v8+s19+$0x0], $0xffff  }
0x5e: {  	v8 =	vld.idx.msk [tilespmem:v1+s2+$0x0], $0xffff;
	[tilespmem:s13+$0xFFFFFFC0] =	vst v9  }
0x5f: {  	[tilespmem:s13+$0x0] =	vst v17;
	v9 =	vld.idx.msk [tilespmem:v3+s2+$0x0], $0xffff  }
0x60: {  	s14 =	simm.s32 $0x114C0;
	[tilespmem:s13+$0x30] =	vst v10;
	v10 =	vld.idx.msk [tilespmem:v16+s2+$0x0], $0xffff  }
0x61: {  	[tilespmem:s14+$0xFFFFFFD0] =	vst v60;
	v5 =	vld.idx.msk [tilespmem:v4+s2+$0x0], $0xffff  }
0x62: {  	v15 =	vld.idx.msk [tilespmem:v7+s18+$0x0], $0xffff;
	[tilespmem:s13+$0xFFFFFFE0] =	vst v6  }
0x63: {  	v6 =	vld.idx.msk [tilespmem:v12+s2+$0x0], $0xffff;
	[tilespmem:s14+$0xFFFFFFF0] =	vst v8  }
0x64: {  	v61 =	vld.idx.msk [tilespmem:v11+s2+$0x0], $0xffff;
	[tilespmem:s14+$0xFFFFFFC0] =	vst v9  }
0x65: {  	v8 =	vld.idx.msk [tilespmem:v2+s2+$0x0], $0xffff;
	[tilespmem:s14+$0x10] =	vst v10  }
0x66: {  	v10 =	vld.idx.msk [tilespmem:v3+s18+$0x0], $0xffff;
	[tilespmem:s14+$0x30] =	vst v5  }
0x67: {  	v5 =	vld.idx.msk [tilespmem:v4+s18+$0x0], $0xffff  }
0x68: {  	v62 =	vld.idx.msk [tilespmem:v16+s18+$0x0], $0xffff;
	[tilespmem:s14+$0x0] =	vst v6  }
0x69: {  	[tilespmem:s14+$0xFFFFFFE0] =	vst v61;
	v6 =	vld.idx.msk [tilespmem:v12+s18+$0x0], $0xffff  }
0x6a: {  	s30 =	simm.s32 $0x13C40;
	[tilespmem:s14+$0x20] =	vst v8;
	v14 =	vld.idx.msk [tilespmem:v11+s18+$0x0], $0xffff  }
0x6b: {  	[tilespmem:s30+$0xFFFFFFD0] =	vst v15;
	v63 =	vld.idx.msk [tilespmem:v2+s18+$0x0], $0xffff  }
0x6c: {  	v9 =	vld.idx.msk [tilespmem:v7+s19+$0x0], $0xffff;
	[tilespmem:s30+$0x30] =	vst v5  }
0x6d: {  	[tilespmem:s30+$0x10] =	vst v62;
	v4 =	vld.idx.msk [tilespmem:v4+s19+$0x0], $0xffff  }
0x6e: {  	s31 =	simm.s32 $0x163C0;
	s0 =	simm.s32 $0x11540;
	v8 =	vld.idx.msk [tilespmem:v16+s19+$0x0], $0xffff;
	[tilespmem:s30+$0x0] =	vst v6  }
0x6f: {  	s1 =	simm.s32 $0x0;
	s6 =	simm.s32 $0xC640;
	s5 =	simm.s32 $0x7740;
	[tilespmem:s30+$0xFFFFFFE0] =	vst v14;
	v6 =	vld.idx.msk [tilespmem:v12+s19+$0x0], $0xffff  }
0x70: {  	s4 =	simm.s32 $0x16440;
	s8 =	simm.s32 $0xEDC0;
	s3 =	simm.s32 $0x13CC0;
	[tilespmem:s30+$0x20] =	vst v63;
	v5 =	vld.idx.msk [tilespmem:v11+s19+$0x0], $0xffff  }
.LBB2_2:
0x71: {  	s9 =	sadd.s32 s1, s21;
	s1 =	sadd.s32 $0x80, s1;
	[tilespmem:s30+$0xFFFFFFC0] =	vst v10;
	v7 =	vld.idx.msk [tilespmem:v1+s18+$0x0], $0xffff;
	s29 =	sadd.s32 $0x80, s29  }
0x72: {  	s10 =	sadd.s32 $0xA0, s9;
	s11 =	sadd.s32 $0xD0, s9;
	s12 =	sadd.s32 $0xE0, s9;
	v3 =	vld.idx.msk [tilespmem:v3+s19+$0x0], $0xffff;
	[tilespmem:s31+$0x30] =	vst v4  }
0x73: {  	s13 =	sadd.s32 $0x80, s9;
	s14 =	sadd.s32 $0x90, s9;
	v10 =	vmov s10;
	s10 =	sadd.s32 $0xC0, s9;
	v11 =	vmov s11;
	v12 =	vmov s12;
	v4 =	vld [tilespmem:s5+$0x30]  }
0x74: {  	p0 =	slt.u32 s1, $0x2680;
	v10 =	vshrl.u32 v10, $0x5;
	v11 =	vshrl.u32 v11, $0x5;
	v12 =	vshrl.u32 v12, $0x5;
	[tilespmem:s31+$0xFFFFFFD0] =	vst v9;
	v9 =	vld.idx.msk [tilespmem:v2+s19+$0x0], $0xffff  }
0x75: {  	s11 =	sadd.s32 $0xB0, s9;
	s9 =	sadd.s32 $0xF0, s9;
	v2 =	vmov s13;
	v13 =	vld [tilespmem:s5+$0xFFFFFFF0];
	v11 =	vbroadcast v11, $0x0;
	v12 =	vbroadcast v12, $0x0;
	[tilespmem:s31+$0x0] =	vst v6  }
0x76: {  	v14 =	vmov s11;
	v15 =	vmov s9;
	v2 =	vshrl.u32 v2, $0x5;
	v6 =	vld [tilespmem:s5+$0xFFFFFFD0];
	[tilespmem:s31+$0xFFFFFFE0] =	vst v5  }
0x77: {  	v10 =	vbroadcast v10, $0x0;
	v14 =	vshrl.u32 v14, $0x5;
	v15 =	vshrl.u32 v15, $0x5;
	v5 =	vld [tilespmem:s5+$0xFFFFFFE0];
	[tilespmem:s30+$0xFFFFFFF0] =	vst v7;
	s30 =	smov.u32 s3  }
0x78: {  	v16 =	vbroadcast v2, $0x0;
	v2 =	vmov s14;
	v14 =	vbroadcast v14, $0x0;
	[tilespmem:s31+$0xFFFFFFC0] =	vst v3;
	v3 =	vld.idx.msk [tilespmem:v1+s19+$0x0], $0xffff  }
0x79: {  	v18 =	vmov s10;
	v15 =	vbroadcast v15, $0x0;
	v17 =	vshrl.u32 v2, $0x5;
	v7 =	vld [tilespmem:s5+$0x0];
	[tilespmem:s31+$0x10] =	vst v8  }
0x7a: {  	v8 =	vshrl.u32 v18, $0x5;
	v2 =	vld [tilespmem:s5+$0x20];
	[tilespmem:s31+$0x20] =	vst v9;
	v1 =	vmov v13  }
0x7b: {  	v9 =	vbroadcast v17, $0x0;
	v13 =	vld [tilespmem:s5+$0x10]  }
0x7c: {  	v17 =	vld.idx.msk [tilespmem:v11+s2+$0x0], $0xffff  }
0x7d: {  	v8 =	vbroadcast v8, $0x0;
	v18 =	vld.idx.msk [tilespmem:v12+s2+$0x0], $0xffff  }
0x7e: {  	v19 =	vld.idx.msk [tilespmem:v14+s2+$0x0], $0xffff;
	[tilespmem:s31+$0xFFFFFFF0] =	vst v3;
	s31 =	smov.u32 s4  }
0x7f: {  	v3 =	vld.idx.msk [tilespmem:v15+s2+$0x0], $0xffff  }
0x80: {  	v20 =	vld.idx.msk [tilespmem:v16+s2+$0x0], $0xffff  }
0x81: {  	v21 =	vld.idx.msk [tilespmem:v9+s2+$0x0], $0xffff  }
0x82: {  	v22 =	vld.idx.msk [tilespmem:v10+s2+$0x0], $0xffff;
	[tilespmem:s29+$0x10] =	vst v17  }
0x83: {  	v17 =	vld.idx.msk [tilespmem:v8+s2+$0x0], $0xffff;
	[tilespmem:s29+$0x20] =	vst v18  }
0x84: {  	[tilespmem:s29+$0xFFFFFFF0] =	vst v19;
	v18 =	vld.idx.msk [tilespmem:v12+s18+$0x0], $0xffff  }
0x85: {  	v19 =	vld.idx.msk [tilespmem:v14+s18+$0x0], $0xffff;
	[tilespmem:s29+$0x30] =	vst v3  }
0x86: {  	v23 =	vld.idx.msk [tilespmem:v15+s18+$0x0], $0xffff  }
0x87: {  	v3 =	vld [tilespmem:s5+$0xFFFFFFC0];
	[tilespmem:s29+$0xFFFFFFD0] =	vst v21  }
0x88: {  	[tilespmem:s29+$0xFFFFFFE0] =	vst v22;
	v21 =	vld.idx.msk [tilespmem:v11+s18+$0x0], $0xffff  }
0x89: {  	v22 =	vld.idx.msk [tilespmem:v10+s18+$0x0], $0xffff;
	[tilespmem:s29+$0x0] =	vst v17  }
0x8a: {  	v17 =	vld.idx.msk [tilespmem:v9+s18+$0x0], $0xffff;
	[tilespmem:s6+$0x20] =	vst v18  }
0x8b: {  	[tilespmem:s6+$0xFFFFFFF0] =	vst v19;
	v18 =	vld.idx.msk [tilespmem:v8+s18+$0x0], $0xffff  }
0x8c: {  	v12 =	vld.idx.msk [tilespmem:v12+s19+$0x0], $0xffff;
	[tilespmem:s6+$0x30] =	vst v23  }
0x8d: {  	[tilespmem:s29+$0xFFFFFFC0] =	vst v20;
	v14 =	vld.idx.msk [tilespmem:v14+s19+$0x0], $0xffff  }
0x8e: {  	v19 =	vld.idx.msk [tilespmem:v16+s18+$0x0], $0xffff;
	[tilespmem:s6+$0x10] =	vst v21  }
0x8f: {  	[tilespmem:s6+$0xFFFFFFE0] =	vst v22;
	v15 =	vld.idx.msk [tilespmem:v15+s19+$0x0], $0xffff  }
0x90: {  	[tilespmem:s6+$0xFFFFFFD0] =	vst v17;
	v11 =	vld.idx.msk [tilespmem:v11+s19+$0x0], $0xffff  }
0x91: {  	v9 =	vld.idx.msk [tilespmem:v9+s19+$0x0], $0xffff;
	[tilespmem:s6+$0x0] =	vst v18  }
0x92: {  	v8 =	vld.idx.msk [tilespmem:v8+s19+$0x0], $0xffff;
	[tilespmem:s8+$0x20] =	vst v12  }
0x93: {  	v10 =	vld.idx.msk [tilespmem:v10+s19+$0x0], $0xffff;
	[tilespmem:s8+$0xFFFFFFF0] =	vst v14  }
0x94: {  	[tilespmem:s6+$0xFFFFFFC0] =	vst v19;
	v12 =	vld.idx.msk [tilespmem:v1+s2+$0x0], $0xffff  }
0x95: {  	v14 =	vld.idx.msk [tilespmem:v16+s19+$0x0], $0xffff;
	[tilespmem:s8+$0x30] =	vst v15  }
0x96: {  	[tilespmem:s8+$0x10] =	vst v11;
	v11 =	vld.idx.msk [tilespmem:v4+s2+$0x0], $0xffff  }
0x97: {  	[tilespmem:s8+$0xFFFFFFD0] =	vst v9;
	v9 =	vld.idx.msk [tilespmem:v13+s2+$0x0], $0xffff  }
0x98: {  	v15 =	vld.idx.msk [tilespmem:v6+s2+$0x0], $0xffff;
	[tilespmem:s8+$0x0] =	vst v8  }
0x99: {  	[tilespmem:s8+$0xFFFFFFE0] =	vst v10;
	v8 =	vld.idx.msk [tilespmem:v7+s2+$0x0], $0xffff  }
0x9a: {  	v10 =	vld.idx.msk [tilespmem:v5+s2+$0x0], $0xffff;
	[tilespmem:s0+$0xFFFFFFF0] =	vst v12  }
0x9b: {  	[tilespmem:s8+$0xFFFFFFC0] =	vst v14;
	v12 =	vld.idx.msk [tilespmem:v2+s2+$0x0], $0xffff  }
0x9c: {  	v14 =	vld.idx.msk [tilespmem:v3+s2+$0x0], $0xffff;
	[tilespmem:s0+$0x30] =	vst v11  }
0x9d: {  	[tilespmem:s0+$0x10] =	vst v9;
	v9 =	vld.idx.msk [tilespmem:v4+s18+$0x0], $0xffff  }
0x9e: {  	[tilespmem:s0+$0xFFFFFFD0] =	vst v15;
	v11 =	vld.idx.msk [tilespmem:v13+s18+$0x0], $0xffff  }
0x9f: {  	v15 =	vld.idx.msk [tilespmem:v6+s18+$0x0], $0xffff;
	[tilespmem:s0+$0x0] =	vst v8  }
0xa0: {  	[tilespmem:s0+$0xFFFFFFE0] =	vst v10;
	v16 =	vld.idx.msk [tilespmem:v7+s18+$0x0], $0xffff  }
0xa1: {  	v17 =	vld.idx.msk [tilespmem:v5+s18+$0x0], $0xffff;
	[tilespmem:s0+$0x20] =	vst v12  }
0xa2: {  	[tilespmem:s0+$0xFFFFFFC0] =	vst v14;
	v12 =	vld.idx.msk [tilespmem:v2+s18+$0x0], $0xffff  }
0xa3: {  	v10 =	vld.idx.msk [tilespmem:v3+s18+$0x0], $0xffff;
	[tilespmem:s3+$0x30] =	vst v9  }
.Ltmp0:
0xa4: {  	[tilespmem:s3+$0x10] =	vst v11;
	v4 =	vld.idx.msk [tilespmem:v4+s19+$0x0], $0xffff;
	(pc) =	sbr.rel @p0 .LBB2_2-.Ltmp0, $4  }
0xa5: {  	[tilespmem:s3+$0xFFFFFFD0] =	vst v15;
	v8 =	vld.idx.msk [tilespmem:v13+s19+$0x0], $0xffff  }
0xa6: {  	v9 =	vld.idx.msk [tilespmem:v6+s19+$0x0], $0xffff;
	[tilespmem:s3+$0x0] =	vst v16  }
0xa7: {  	s4 =	sadd.s32 $0x80, s4;
	s0 =	sadd.s32 $0x80, s0;
	s3 =	sadd.s32 $0x80, s3;
	[tilespmem:s30+$0xFFFFFFE0] =	vst v17;
	v6 =	vld.idx.msk [tilespmem:v7+s19+$0x0], $0xffff  }
0xa8: {  	s5 =	sadd.s32 $0x80, s5;
	s6 =	sadd.s32 $0x80, s6;
	s8 =	sadd.s32 $0x80, s8;
	v5 =	vld.idx.msk [tilespmem:v5+s19+$0x0], $0xffff;
	[tilespmem:s30+$0x20] =	vst v12  }
0xa9: {  	_ =	sdelay $0x3  }
0xaa: {  	v7 =	vld.idx.msk [tilespmem:v1+s18+$0x0], $0xffff;
	_ =	sdelay $0x1  }
0xab: {  	[tilespmem:s30+$0xFFFFFFC0] =	vst v10  }
0xac: {  	[tilespmem:s31+$0x30] =	vst v4  }
0xad: {  	v2 =	vld.idx.msk [tilespmem:v2+s19+$0x0], $0xffff;
	[tilespmem:s31+$0x10] =	vst v8  }
0xae: {  	v3 =	vld.idx.msk [tilespmem:v3+s19+$0x0], $0xffff;
	[tilespmem:s30+$0xFFFFFFF0] =	vst v7  }
0xaf: {  	[tilespmem:s31+$0xFFFFFFD0] =	vst v9;
	v1 =	vld.idx.msk [tilespmem:v1+s19+$0x0], $0xffff  }
0xb0: {  	[tilespmem:s31+$0x0] =	vst v6  }
0xb1: {  	[tilespmem:s31+$0xFFFFFFE0] =	vst v5  }
0xb2: {  	[tilespmem:s31+$0x20] =	vst v2  }
0xb3: {  	[tilespmem:s31+$0xFFFFFFC0] =	vst v3  }
0xb4: {  	[tilespmem:s31+$0xFFFFFFF0] =	vst v1  }
0xb5: {  	v1 =	vld.idx.msk [tilespmem:v0+s2+$0x0], $0xffff;
	_ =	sdelay $0x4  }
0xb6: {  	[tilespmem:$0xC500] =	vst v1  }
0xb7: {  	v1 =	vld.idx.msk [tilespmem:v0+s18+$0x0], $0xffff;
	_ =	sdelay $0x3  }
0xb8: {  	v2 =	vld [tilespmem:$0x9D80]  }
0xb9: {  	[tilespmem:$0xEC80] =	vst v1  }
0xba: {  	v1 =	vld.idx.msk [tilespmem:v0+s19+$0x0], $0xffff;
	_ =	sdelay $0x4  }
0xbb: {  	[tilespmem:$0x11400] =	vst v1  }
0xbc: {  	v1 =	vld.idx.msk [tilespmem:v2+s2+$0x0], $0xffff;
	_ =	sdelay $0x4  }
0xbd: {  	[tilespmem:$0x13B80] =	vst v1  }
0xbe: {  	v1 =	vld.idx.msk [tilespmem:v2+s18+$0x0], $0xffff;
	_ =	sdelay $0x4  }
0xbf: {  	[tilespmem:$0x16300] =	vst v1  }
0xc0: {  	v1 =	vld.idx.msk [tilespmem:v2+s19+$0x0], $0xffff;
	_ =	sdelay $0x4  }
0xc1: {  	[tilespmem:$0x18A80] =	vst v1  }
0xc2: {  	[hbm4b:s7+s2] =	stream.linear.scatter [tilespmem:s20], [sflag:$0x1], $0x2710, $0x38;
	[tilespmem:$0x18B00] =	vst v63  }
0xc3: {  	_ =	swait.ge [sflag:s17], $0x2710  }
0xc4: {  	[sflag:s17] =	ssyncset.done $0x0  }
0xc5: {  	s0 =	rddreg [dreg:$0x7];
	[sflag:s17] =	ssyncadd.s32 $0xFFFFD8F0  }
0xc6: {  	[hbm4b:s0+s2] =	stream.linear.scatter [tilespmem:s22], [sflag:$0x1], $0x2710, $0x38;
	[tilespmem:$0x18B00] =	vst v63  }
0xc7: {  	_ =	swait.ge [sflag:s17], $0x2710  }
0xc8: {  	[sflag:s17] =	ssyncset.done $0x0  }
0xc9: {  	s10 =	rddreg [dreg:$0x8];
	[sflag:s17] =	ssyncadd.s32 $0xFFFFD8F0  }
0xca: {  	[hbm4b:s10+s2] =	stream.linear.scatter [tilespmem:s23], [sflag:$0x1], $0x2710, $0x38;
	[tilespmem:$0x18B00] =	vst v63  }
0xcb: {  	_ =	swait.ge [sflag:s17], $0x2710  }
0xcc: {  	[sflag:s17] =	ssyncset.done $0x0  }
0xcd: {  	s11 =	rddreg [dreg:$0x9];
	[sflag:s17] =	ssyncadd.s32 $0xFFFFD8F0  }
0xce: {  	[hbm4b:s11+s2] =	stream.linear.scatter [tilespmem:s24], [sflag:$0x1], $0x2710, $0x38;
	[tilespmem:$0x18B00] =	vst v63  }
0xcf: {  	_ =	swait.ge [sflag:s17], $0x2710  }
0xd0: {  	[sflag:s17] =	ssyncset.done $0x0  }
0xd1: {  	s12 =	rddreg [dreg:$0x17];
	[sflag:s17] =	ssyncadd.s32 $0xFFFFD8F0  }
0xd2: {  	[hbm4b:s12+s2] =	stream.linear.scatter [tilespmem:s25], [sflag:$0x1], $0x2710, $0x38;
	[tilespmem:$0x18B00] =	vst v63  }
0xd3: {  	_ =	swait.ge [sflag:s17], $0x2710  }
0xd4: {  	[sflag:s17] =	ssyncset.done $0x0  }
0xd5: {  	s13 =	rddreg [dreg:$0x18];
	[sflag:s17] =	ssyncadd.s32 $0xFFFFD8F0  }
0xd6: {  	[hbm4b:s13+s2] =	stream.linear.scatter [tilespmem:s26], [sflag:$0x1], $0x2710, $0x38;
	[tilespmem:$0x18B00] =	vst v63  }
0xd7: {  	_ =	swait.ge [sflag:s17], $0x2710  }
0xd8: {  	[sflag:s17] =	ssyncset.done $0x0  }
0xd9: {  	s14 =	rddreg [dreg:$0xa];
	[sflag:s17] =	ssyncadd.s32 $0xFFFFD8F0  }
0xda: {  	[tilespmem:s16], [sflag:$0x1] =	stream.linear.gather [hbm4b:s14+s2], $0x2710, $0x38;
	[tilespmem:$0x18B00] =	vst v63  }
0xdb: {  	_ =	swait.ge [sflag:s17], $0x2710  }
0xdc: {  	[sflag:s17] =	ssyncset.done $0x0  }
0xdd: {  	s1 =	rddreg [dreg:$0xb];
	[sflag:s17] =	ssyncadd.s32 $0xFFFFD8F0  }
0xde: {  	[tilespmem:s2], [sflag:$0x1] =	stream.linear.gather [hbm4b:s1+s2], $0x2710, $0x38;
	[tilespmem:$0x18B00] =	vst v63  }
0xdf: {  	_ =	swait.ge [sflag:s17], $0x2710  }
0xe0: {  	[sflag:s17] =	ssyncset.done $0x0  }
0xe1: {  	s3 =	rddreg [dreg:$0xc];
	[sflag:s17] =	ssyncadd.s32 $0xFFFFD8F0  }
0xe2: {  	[tilespmem:s18], [sflag:$0x1] =	stream.linear.gather [hbm4b:s3+s2], $0x2710, $0x38;
	[tilespmem:$0x18B00] =	vst v63  }
0xe3: {  	_ =	swait.ge [sflag:s17], $0x2710  }
0xe4: {  	s5 =	sadd.s32 $0xFFFFFF80, s21;
	[sflag:s17] =	ssyncset.done $0x0  }
0xe5: {  	s1 =	sadd.s32 $0xD0, s5;
	s4 =	rddreg [dreg:$0xd];
	[sflag:s17] =	ssyncadd.s32 $0xFFFFD8F0  }
0xe6: {  	[tilespmem:s19], [sflag:$0x1] =	stream.linear.gather [hbm4b:s4+s2], $0x2710, $0x38;
	[tilespmem:$0x18B00] =	vst v63  }
0xe7: {  	v1 =	vmov s1;
	_ =	swait.ge [sflag:s17], $0x2710  }
0xe8: {  	s6 =	sadd.s32 $0xB0, s5;
	v3 =	vshrl.u32 v1, $0x5;
	[sflag:s17] =	ssyncset.done $0x0  }
0xe9: {  	s9 =	sadd.s32 $0x80, s5;
	v5 =	vbroadcast v3, $0x0;
	v3 =	vmov s6;
	s3 =	simm.s32 $0x76C0;
	[sflag:s17] =	ssyncadd.s32 $0xFFFFD8F0  }
0xea: {  	v8 =	vmov s9;
	v3 =	vshrl.u32 v3, $0x5;
	v4 =	vld [tilespmem:s3+$0x30]  }
0xeb: {  	s10 =	sadd.s32 $0x90, s5;
	v9 =	vbroadcast v3, $0x0;
	v3 =	vshrl.u32 v8, $0x5;
	v1 =	vld [tilespmem:s3+$0xFFFFFFF0]  }
0xec: {  	s11 =	sadd.s32 $0xA0, s5;
	v8 =	vmov s10;
	v14 =	vbroadcast v3, $0x0;
	v7 =	vld [tilespmem:s3+$0xFFFFFFD0]  }
0xed: {  	s0 =	sadd.s32 $0xC0, s5;
	v13 =	vmov s11;
	v3 =	vshrl.u32 v8, $0x5;
	v11 =	vld [tilespmem:s3+$0xFFFFFFE0]  }
0xee: {  	v51 =	vmov s0;
	v8 =	vshrl.u32 v13, $0x5;
	v15 =	vbroadcast v3, $0x0;
	s4 =	sadd.s32 $0xE0, s5;
	v12 =	vld [tilespmem:s3+$0x0]  }
0xef: {  	v8 =	vbroadcast v8, $0x0;
	v3 =	vshrl.u32 v51, $0x5;
	v2 =	vmov s4;
	v16 =	vld [tilespmem:s3+$0x10]  }
0xf0: {  	s8 =	sadd.s32 $0xF0, s5;
	v17 =	vbroadcast v3, $0x0;
	v2 =	vshrl.u32 v2, $0x5;
	v52 =	vld.idx.msk [tilespmem:v5+s2+$0x0], $0xffff  }
0xf1: {  	v6 =	vbroadcast v2, $0x0;
	v2 =	vmov s8;
	v18 =	vld.idx.msk [tilespmem:v9+s2+$0x0], $0xffff  }
0xf2: {  	v2 =	vshrl.u32 v2, $0x5;
	v20 =	vld.idx.msk [tilespmem:v14+s2+$0x0], $0xffff  }
0xf3: {  	v10 =	vbroadcast v2, $0x0;
	v2 =	vld [tilespmem:s3+$0x20]  }
0xf4: {  	v21 =	vld.idx.msk [tilespmem:v15+s2+$0x0], $0xffff  }
0xf5: {  	v22 =	vld.idx.msk [tilespmem:v8+s2+$0x0], $0xffff  }
0xf6: {  	s29 =	simm.s32 $0x9E40;
	v23 =	vld.idx.msk [tilespmem:v17+s2+$0x0], $0xffff  }
0xf7: {  	v3 =	vld.idx.msk [tilespmem:v6+s2+$0x0], $0xffff;
	[tilespmem:s29+$0xFFFFFFF0] =	vst v18  }
0xf8: {  	[tilespmem:s29+$0x10] =	vst v52;
	v24 =	vld.idx.msk [tilespmem:v9+s18+$0x0], $0xffff  }
0xf9: {  	[tilespmem:s29+$0xFFFFFFD0] =	vst v21;
	v55 =	vld.idx.msk [tilespmem:v5+s18+$0x0], $0xffff  }
0xfa: {  	[tilespmem:s29+$0xFFFFFFE0] =	vst v22;
	v19 =	vld.idx.msk [tilespmem:v10+s2+$0x0], $0xffff  }
0xfb: {  	v56 =	vld.idx.msk [tilespmem:v8+s18+$0x0], $0xffff;
	[tilespmem:s29+$0x0] =	vst v23  }
0xfc: {  	v57 =	vld.idx.msk [tilespmem:v15+s18+$0x0], $0xffff;
	[tilespmem:s29+$0x20] =	vst v3  }
0xfd: {  	s12 =	simm.s32 $0xC5C0;
	v3 =	vld [tilespmem:s3+$0xFFFFFFC0];
	[tilespmem:s29+$0xFFFFFFC0] =	vst v20  }
0xfe: {  	v58 =	vld.idx.msk [tilespmem:v17+s18+$0x0], $0xffff;
	[tilespmem:s12+$0xFFFFFFF0] =	vst v24  }
0xff: {  	v53 =	vld.idx.msk [tilespmem:v6+s18+$0x0], $0xffff;
	[tilespmem:s12+$0x10] =	vst v55  }
0x100: {  	v59 =	vld.idx.msk [tilespmem:v14+s18+$0x0], $0xffff;
	[tilespmem:s29+$0x30] =	vst v19  }
0x101: {  	v9 =	vld.idx.msk [tilespmem:v9+s19+$0x0], $0xffff;
	[tilespmem:s12+$0xFFFFFFE0] =	vst v56  }
0x102: {  	[tilespmem:s12+$0xFFFFFFD0] =	vst v57;
	v54 =	vld.idx.msk [tilespmem:v10+s18+$0x0], $0xffff  }
0x103: {  	v15 =	vld.idx.msk [tilespmem:v15+s19+$0x0], $0xffff;
	[tilespmem:s12+$0x0] =	vst v58  }
0x104: {  	v5 =	vld.idx.msk [tilespmem:v5+s19+$0x0], $0xffff;
	[tilespmem:s12+$0x20] =	vst v53  }
0x105: {  	s13 =	simm.s32 $0xED40;
	[tilespmem:s12+$0xFFFFFFC0] =	vst v59;
	v6 =	vld.idx.msk [tilespmem:v6+s19+$0x0], $0xffff  }
0x106: {  	[tilespmem:s13+$0xFFFFFFF0] =	vst v9;
	v9 =	vld.idx.msk [tilespmem:v14+s19+$0x0], $0xffff  }
0x107: {  	v17 =	vld.idx.msk [tilespmem:v17+s19+$0x0], $0xffff;
	[tilespmem:s12+$0x30] =	vst v54  }
0x108: {  	[tilespmem:s13+$0xFFFFFFD0] =	vst v15;
	v10 =	vld.idx.msk [tilespmem:v10+s19+$0x0], $0xffff  }
0x109: {  	[tilespmem:s13+$0x10] =	vst v5;
	v60 =	vld.idx.msk [tilespmem:v7+s2+$0x0], $0xffff  }
0x10a: {  	[tilespmem:s13+$0x20] =	vst v6;
	v6 =	vld.idx.msk [tilespmem:v8+s19+$0x0], $0xffff  }
0x10b: {  	v8 =	vld.idx.msk [tilespmem:v1+s2+$0x0], $0xffff;
	[tilespmem:s13+$0xFFFFFFC0] =	vst v9  }
0x10c: {  	[tilespmem:s13+$0x0] =	vst v17;
	v9 =	vld.idx.msk [tilespmem:v3+s2+$0x0], $0xffff  }
0x10d: {  	s14 =	simm.s32 $0x114C0;
	[tilespmem:s13+$0x30] =	vst v10;
	v10 =	vld.idx.msk [tilespmem:v16+s2+$0x0], $0xffff  }
0x10e: {  	[tilespmem:s14+$0xFFFFFFD0] =	vst v60;
	v5 =	vld.idx.msk [tilespmem:v4+s2+$0x0], $0xffff  }
0x10f: {  	v15 =	vld.idx.msk [tilespmem:v7+s18+$0x0], $0xffff;
	[tilespmem:s13+$0xFFFFFFE0] =	vst v6  }
0x110: {  	v6 =	vld.idx.msk [tilespmem:v12+s2+$0x0], $0xffff;
	[tilespmem:s14+$0xFFFFFFF0] =	vst v8  }
0x111: {  	v61 =	vld.idx.msk [tilespmem:v11+s2+$0x0], $0xffff;
	[tilespmem:s14+$0xFFFFFFC0] =	vst v9  }
0x112: {  	v8 =	vld.idx.msk [tilespmem:v2+s2+$0x0], $0xffff;
	[tilespmem:s14+$0x10] =	vst v10  }
0x113: {  	v10 =	vld.idx.msk [tilespmem:v3+s18+$0x0], $0xffff;
	[tilespmem:s14+$0x30] =	vst v5  }
0x114: {  	v5 =	vld.idx.msk [tilespmem:v4+s18+$0x0], $0xffff  }
0x115: {  	v62 =	vld.idx.msk [tilespmem:v16+s18+$0x0], $0xffff;
	[tilespmem:s14+$0x0] =	vst v6  }
0x116: {  	[tilespmem:s14+$0xFFFFFFE0] =	vst v61;
	v6 =	vld.idx.msk [tilespmem:v12+s18+$0x0], $0xffff  }
0x117: {  	s30 =	simm.s32 $0x13C40;
	[tilespmem:s14+$0x20] =	vst v8;
	v14 =	vld.idx.msk [tilespmem:v11+s18+$0x0], $0xffff  }
0x118: {  	[tilespmem:s30+$0xFFFFFFD0] =	vst v15;
	v63 =	vld.idx.msk [tilespmem:v2+s18+$0x0], $0xffff  }
0x119: {  	v9 =	vld.idx.msk [tilespmem:v7+s19+$0x0], $0xffff;
	[tilespmem:s30+$0x30] =	vst v5  }
0x11a: {  	[tilespmem:s30+$0x10] =	vst v62;
	v4 =	vld.idx.msk [tilespmem:v4+s19+$0x0], $0xffff  }
0x11b: {  	s31 =	simm.s32 $0x163C0;
	s0 =	simm.s32 $0x11540;
	v8 =	vld.idx.msk [tilespmem:v16+s19+$0x0], $0xffff;
	[tilespmem:s30+$0x0] =	vst v6  }
0x11c: {  	s1 =	simm.s32 $0x0;
	s6 =	simm.s32 $0xC640;
	s5 =	simm.s32 $0x7740;
	[tilespmem:s30+$0xFFFFFFE0] =	vst v14;
	v6 =	vld.idx.msk [tilespmem:v12+s19+$0x0], $0xffff  }
0x11d: {  	s4 =	simm.s32 $0x16440;
	s8 =	simm.s32 $0xEDC0;
	s3 =	simm.s32 $0x13CC0;
	[tilespmem:s30+$0x20] =	vst v63;
	v5 =	vld.idx.msk [tilespmem:v11+s19+$0x0], $0xffff  }
.LBB2_4:
0x11e: {  	s9 =	sadd.s32 s1, s21;
	s1 =	sadd.s32 $0x80, s1;
	[tilespmem:s30+$0xFFFFFFC0] =	vst v10;
	v7 =	vld.idx.msk [tilespmem:v1+s18+$0x0], $0xffff;
	s29 =	sadd.s32 $0x80, s29  }
0x11f: {  	s10 =	sadd.s32 $0xA0, s9;
	s11 =	sadd.s32 $0xD0, s9;
	s12 =	sadd.s32 $0xE0, s9;
	v3 =	vld.idx.msk [tilespmem:v3+s19+$0x0], $0xffff;
	[tilespmem:s31+$0x30] =	vst v4  }
0x120: {  	s13 =	sadd.s32 $0x80, s9;
	s14 =	sadd.s32 $0x90, s9;
	v10 =	vmov s10;
	s10 =	sadd.s32 $0xC0, s9;
	v11 =	vmov s11;
	v12 =	vmov s12;
	v4 =	vld [tilespmem:s5+$0x30]  }
0x121: {  	p0 =	slt.u32 s1, $0x2680;
	v10 =	vshrl.u32 v10, $0x5;
	v11 =	vshrl.u32 v11, $0x5;
	v12 =	vshrl.u32 v12, $0x5;
	[tilespmem:s31+$0xFFFFFFD0] =	vst v9;
	v9 =	vld.idx.msk [tilespmem:v2+s19+$0x0], $0xffff  }
0x122: {  	s11 =	sadd.s32 $0xB0, s9;
	s9 =	sadd.s32 $0xF0, s9;
	v2 =	vmov s13;
	v13 =	vld [tilespmem:s5+$0xFFFFFFF0];
	v11 =	vbroadcast v11, $0x0;
	v12 =	vbroadcast v12, $0x0;
	[tilespmem:s31+$0x0] =	vst v6  }
0x123: {  	v14 =	vmov s11;
	v15 =	vmov s9;
	v2 =	vshrl.u32 v2, $0x5;
	v6 =	vld [tilespmem:s5+$0xFFFFFFD0];
	[tilespmem:s31+$0xFFFFFFE0] =	vst v5  }
0x124: {  	v10 =	vbroadcast v10, $0x0;
	v14 =	vshrl.u32 v14, $0x5;
	v15 =	vshrl.u32 v15, $0x5;
	v5 =	vld [tilespmem:s5+$0xFFFFFFE0];
	[tilespmem:s30+$0xFFFFFFF0] =	vst v7;
	s30 =	smov.u32 s3  }
0x125: {  	v16 =	vbroadcast v2, $0x0;
	v2 =	vmov s14;
	v14 =	vbroadcast v14, $0x0;
	[tilespmem:s31+$0xFFFFFFC0] =	vst v3;
	v3 =	vld.idx.msk [tilespmem:v1+s19+$0x0], $0xffff  }
0x126: {  	v18 =	vmov s10;
	v15 =	vbroadcast v15, $0x0;
	v17 =	vshrl.u32 v2, $0x5;
	v7 =	vld [tilespmem:s5+$0x0];
	[tilespmem:s31+$0x10] =	vst v8  }
0x127: {  	v8 =	vshrl.u32 v18, $0x5;
	v2 =	vld [tilespmem:s5+$0x20];
	[tilespmem:s31+$0x20] =	vst v9;
	v1 =	vmov v13  }
0x128: {  	v9 =	vbroadcast v17, $0x0;
	v13 =	vld [tilespmem:s5+$0x10]  }
0x129: {  	v17 =	vld.idx.msk [tilespmem:v11+s2+$0x0], $0xffff  }
0x12a: {  	v8 =	vbroadcast v8, $0x0;
	v18 =	vld.idx.msk [tilespmem:v12+s2+$0x0], $0xffff  }
0x12b: {  	v19 =	vld.idx.msk [tilespmem:v14+s2+$0x0], $0xffff;
	[tilespmem:s31+$0xFFFFFFF0] =	vst v3;
	s31 =	smov.u32 s4  }
0x12c: {  	v3 =	vld.idx.msk [tilespmem:v15+s2+$0x0], $0xffff  }
0x12d: {  	v20 =	vld.idx.msk [tilespmem:v16+s2+$0x0], $0xffff  }
0x12e: {  	v21 =	vld.idx.msk [tilespmem:v9+s2+$0x0], $0xffff  }
0x12f: {  	v22 =	vld.idx.msk [tilespmem:v10+s2+$0x0], $0xffff;
	[tilespmem:s29+$0x10] =	vst v17  }
0x130: {  	v17 =	vld.idx.msk [tilespmem:v8+s2+$0x0], $0xffff;
	[tilespmem:s29+$0x20] =	vst v18  }
0x131: {  	[tilespmem:s29+$0xFFFFFFF0] =	vst v19;
	v18 =	vld.idx.msk [tilespmem:v12+s18+$0x0], $0xffff  }
0x132: {  	v19 =	vld.idx.msk [tilespmem:v14+s18+$0x0], $0xffff;
	[tilespmem:s29+$0x30] =	vst v3  }
0x133: {  	v23 =	vld.idx.msk [tilespmem:v15+s18+$0x0], $0xffff  }
0x134: {  	v3 =	vld [tilespmem:s5+$0xFFFFFFC0];
	[tilespmem:s29+$0xFFFFFFD0] =	vst v21  }
0x135: {  	[tilespmem:s29+$0xFFFFFFE0] =	vst v22;
	v21 =	vld.idx.msk [tilespmem:v11+s18+$0x0], $0xffff  }
0x136: {  	v22 =	vld.idx.msk [tilespmem:v10+s18+$0x0], $0xffff;
	[tilespmem:s29+$0x0] =	vst v17  }
0x137: {  	v17 =	vld.idx.msk [tilespmem:v9+s18+$0x0], $0xffff;
	[tilespmem:s6+$0x20] =	vst v18  }
0x138: {  	[tilespmem:s6+$0xFFFFFFF0] =	vst v19;
	v18 =	vld.idx.msk [tilespmem:v8+s18+$0x0], $0xffff  }
0x139: {  	v12 =	vld.idx.msk [tilespmem:v12+s19+$0x0], $0xffff;
	[tilespmem:s6+$0x30] =	vst v23  }
0x13a: {  	[tilespmem:s29+$0xFFFFFFC0] =	vst v20;
	v14 =	vld.idx.msk [tilespmem:v14+s19+$0x0], $0xffff  }
0x13b: {  	v19 =	vld.idx.msk [tilespmem:v16+s18+$0x0], $0xffff;
	[tilespmem:s6+$0x10] =	vst v21  }
0x13c: {  	[tilespmem:s6+$0xFFFFFFE0] =	vst v22;
	v15 =	vld.idx.msk [tilespmem:v15+s19+$0x0], $0xffff  }
0x13d: {  	[tilespmem:s6+$0xFFFFFFD0] =	vst v17;
	v11 =	vld.idx.msk [tilespmem:v11+s19+$0x0], $0xffff  }
0x13e: {  	v9 =	vld.idx.msk [tilespmem:v9+s19+$0x0], $0xffff;
	[tilespmem:s6+$0x0] =	vst v18  }
0x13f: {  	v8 =	vld.idx.msk [tilespmem:v8+s19+$0x0], $0xffff;
	[tilespmem:s8+$0x20] =	vst v12  }
0x140: {  	v10 =	vld.idx.msk [tilespmem:v10+s19+$0x0], $0xffff;
	[tilespmem:s8+$0xFFFFFFF0] =	vst v14  }
0x141: {  	[tilespmem:s6+$0xFFFFFFC0] =	vst v19;
	v12 =	vld.idx.msk [tilespmem:v1+s2+$0x0], $0xffff  }
0x142: {  	v14 =	vld.idx.msk [tilespmem:v16+s19+$0x0], $0xffff;
	[tilespmem:s8+$0x30] =	vst v15  }
0x143: {  	[tilespmem:s8+$0x10] =	vst v11;
	v11 =	vld.idx.msk [tilespmem:v4+s2+$0x0], $0xffff  }
0x144: {  	[tilespmem:s8+$0xFFFFFFD0] =	vst v9;
	v9 =	vld.idx.msk [tilespmem:v13+s2+$0x0], $0xffff  }
0x145: {  	v15 =	vld.idx.msk [tilespmem:v6+s2+$0x0], $0xffff;
	[tilespmem:s8+$0x0] =	vst v8  }
0x146: {  	[tilespmem:s8+$0xFFFFFFE0] =	vst v10;
	v8 =	vld.idx.msk [tilespmem:v7+s2+$0x0], $0xffff  }
0x147: {  	v10 =	vld.idx.msk [tilespmem:v5+s2+$0x0], $0xffff;
	[tilespmem:s0+$0xFFFFFFF0] =	vst v12  }
0x148: {  	[tilespmem:s8+$0xFFFFFFC0] =	vst v14;
	v12 =	vld.idx.msk [tilespmem:v2+s2+$0x0], $0xffff  }
0x149: {  	v14 =	vld.idx.msk [tilespmem:v3+s2+$0x0], $0xffff;
	[tilespmem:s0+$0x30] =	vst v11  }
0x14a: {  	[tilespmem:s0+$0x10] =	vst v9;
	v9 =	vld.idx.msk [tilespmem:v4+s18+$0x0], $0xffff  }
0x14b: {  	[tilespmem:s0+$0xFFFFFFD0] =	vst v15;
	v11 =	vld.idx.msk [tilespmem:v13+s18+$0x0], $0xffff  }
0x14c: {  	v15 =	vld.idx.msk [tilespmem:v6+s18+$0x0], $0xffff;
	[tilespmem:s0+$0x0] =	vst v8  }
0x14d: {  	[tilespmem:s0+$0xFFFFFFE0] =	vst v10;
	v16 =	vld.idx.msk [tilespmem:v7+s18+$0x0], $0xffff  }
0x14e: {  	v17 =	vld.idx.msk [tilespmem:v5+s18+$0x0], $0xffff;
	[tilespmem:s0+$0x20] =	vst v12  }
0x14f: {  	[tilespmem:s0+$0xFFFFFFC0] =	vst v14;
	v12 =	vld.idx.msk [tilespmem:v2+s18+$0x0], $0xffff  }
0x150: {  	v10 =	vld.idx.msk [tilespmem:v3+s18+$0x0], $0xffff;
	[tilespmem:s3+$0x30] =	vst v9  }
.Ltmp1:
0x151: {  	[tilespmem:s3+$0x10] =	vst v11;
	v4 =	vld.idx.msk [tilespmem:v4+s19+$0x0], $0xffff;
	(pc) =	sbr.rel @p0 .LBB2_4-.Ltmp1, $4  }
0x152: {  	[tilespmem:s3+$0xFFFFFFD0] =	vst v15;
	v8 =	vld.idx.msk [tilespmem:v13+s19+$0x0], $0xffff  }
0x153: {  	v9 =	vld.idx.msk [tilespmem:v6+s19+$0x0], $0xffff;
	[tilespmem:s3+$0x0] =	vst v16  }
0x154: {  	s4 =	sadd.s32 $0x80, s4;
	s0 =	sadd.s32 $0x80, s0;
	s3 =	sadd.s32 $0x80, s3;
	[tilespmem:s30+$0xFFFFFFE0] =	vst v17;
	v6 =	vld.idx.msk [tilespmem:v7+s19+$0x0], $0xffff  }
0x155: {  	s5 =	sadd.s32 $0x80, s5;
	s6 =	sadd.s32 $0x80, s6;
	s8 =	sadd.s32 $0x80, s8;
	v5 =	vld.idx.msk [tilespmem:v5+s19+$0x0], $0xffff;
	[tilespmem:s30+$0x20] =	vst v12  }
0x156: {  	_ =	sdelay $0x3  }
0x157: {  	v7 =	vld.idx.msk [tilespmem:v1+s18+$0x0], $0xffff;
	_ =	sdelay $0x1  }
0x158: {  	[tilespmem:s30+$0xFFFFFFC0] =	vst v10  }
0x159: {  	[tilespmem:s31+$0x30] =	vst v4  }
0x15a: {  	v2 =	vld.idx.msk [tilespmem:v2+s19+$0x0], $0xffff;
	[tilespmem:s31+$0x10] =	vst v8  }
0x15b: {  	v3 =	vld.idx.msk [tilespmem:v3+s19+$0x0], $0xffff;
	[tilespmem:s30+$0xFFFFFFF0] =	vst v7  }
0x15c: {  	[tilespmem:s31+$0xFFFFFFD0] =	vst v9;
	v1 =	vld.idx.msk [tilespmem:v1+s19+$0x0], $0xffff  }
0x15d: {  	[tilespmem:s31+$0x0] =	vst v6  }
0x15e: {  	[tilespmem:s31+$0xFFFFFFE0] =	vst v5  }
0x15f: {  	[tilespmem:s31+$0x20] =	vst v2  }
0x160: {  	[tilespmem:s31+$0xFFFFFFC0] =	vst v3  }
0x161: {  	[tilespmem:s31+$0xFFFFFFF0] =	vst v1  }
0x162: {  	v1 =	vld.idx.msk [tilespmem:v0+s2+$0x0], $0xffff;
	_ =	sdelay $0x4  }
0x163: {  	[tilespmem:$0xC500] =	vst v1  }
0x164: {  	v1 =	vld.idx.msk [tilespmem:v0+s18+$0x0], $0xffff;
	_ =	sdelay $0x3  }
0x165: {  	v2 =	vld [tilespmem:$0x9D80]  }
0x166: {  	[tilespmem:$0xEC80] =	vst v1  }
0x167: {  	v1 =	vld.idx.msk [tilespmem:v0+s19+$0x0], $0xffff;
	_ =	sdelay $0x4  }
0x168: {  	[tilespmem:$0x11400] =	vst v1  }
0x169: {  	v1 =	vld.idx.msk [tilespmem:v2+s2+$0x0], $0xffff;
	_ =	sdelay $0x4  }
0x16a: {  	[tilespmem:$0x13B80] =	vst v1  }
0x16b: {  	v1 =	vld.idx.msk [tilespmem:v2+s18+$0x0], $0xffff;
	_ =	sdelay $0x4  }
0x16c: {  	[tilespmem:$0x16300] =	vst v1  }
0x16d: {  	v1 =	vld.idx.msk [tilespmem:v2+s19+$0x0], $0xffff;
	_ =	sdelay $0x4  }
0x16e: {  	s0 =	rddreg [dreg:$0x19];
	[tilespmem:$0x18A80] =	vst v1  }
0x16f: {  	[hbm4b:s0+s2] =	stream.linear.scatter [tilespmem:s20], [sflag:$0x1], $0x2710, $0x38;
	[tilespmem:$0x18B00] =	vst v63  }
0x170: {  	_ =	swait.ge [sflag:s17], $0x2710  }
0x171: {  	[sflag:s17] =	ssyncset.done $0x0  }
0x172: {  	s9 =	rddreg [dreg:$0x1a];
	[sflag:s17] =	ssyncadd.s32 $0xFFFFD8F0  }
0x173: {  	[hbm4b:s9+s2] =	stream.linear.scatter [tilespmem:s22], [sflag:$0x1], $0x2710, $0x38;
	[tilespmem:$0x18B00] =	vst v63  }
0x174: {  	_ =	swait.ge [sflag:s17], $0x2710  }
0x175: {  	[sflag:s17] =	ssyncset.done $0x0  }
0x176: {  	s10 =	rddreg [dreg:$0x1b];
	[sflag:s17] =	ssyncadd.s32 $0xFFFFD8F0  }
0x177: {  	[hbm4b:s10+s2] =	stream.linear.scatter [tilespmem:s23], [sflag:$0x1], $0x2710, $0x38;
	[tilespmem:$0x18B00] =	vst v63  }
0x178: {  	_ =	swait.ge [sflag:s17], $0x2710  }
0x179: {  	[sflag:s17] =	ssyncset.done $0x0  }
0x17a: {  	s11 =	rddreg [dreg:$0x1c];
	[sflag:s17] =	ssyncadd.s32 $0xFFFFD8F0  }
0x17b: {  	[hbm4b:s11+s2] =	stream.linear.scatter [tilespmem:s24], [sflag:$0x1], $0x2710, $0x38;
	[tilespmem:$0x18B00] =	vst v63  }
0x17c: {  	_ =	swait.ge [sflag:s17], $0x2710  }
0x17d: {  	[sflag:s17] =	ssyncset.done $0x0  }
0x17e: {  	s12 =	rddreg [dreg:$0x1d];
	[sflag:s17] =	ssyncadd.s32 $0xFFFFD8F0  }
0x17f: {  	[hbm4b:s12+s2] =	stream.linear.scatter [tilespmem:s25], [sflag:$0x1], $0x2710, $0x38;
	[tilespmem:$0x18B00] =	vst v63  }
0x180: {  	_ =	swait.ge [sflag:s17], $0x2710  }
0x181: {  	[sflag:s17] =	ssyncset.done $0x0  }
0x182: {  	s13 =	rddreg [dreg:$0x1e];
	[sflag:s17] =	ssyncadd.s32 $0xFFFFD8F0  }
0x183: {  	[hbm4b:s13+s2] =	stream.linear.scatter [tilespmem:s26], [sflag:$0x1], $0x2710, $0x38;
	[tilespmem:$0x18B00] =	vst v63  }
0x184: {  	_ =	swait.ge [sflag:s17], $0x2710  }
0x185: {  	[sflag:s17] =	ssyncset.done $0x0  }
0x186: {  	s14 =	rddreg [dreg:$0xe];
	[sflag:s17] =	ssyncadd.s32 $0xFFFFD8F0  }
0x187: {  	[tilespmem:s16], [sflag:$0x1] =	stream.linear.gather [hbm4b:s14+s2], $0x2710, $0x38;
	[tilespmem:$0x18B00] =	vst v63  }
0x188: {  	_ =	swait.ge [sflag:s17], $0x2710  }
0x189: {  	[sflag:s17] =	ssyncset.done $0x0  }
0x18a: {  	s1 =	rddreg [dreg:$0xf];
	[sflag:s17] =	ssyncadd.s32 $0xFFFFD8F0  }
0x18b: {  	[tilespmem:s2], [sflag:$0x1] =	stream.linear.gather [hbm4b:s1+s2], $0x2710, $0x38;
	[tilespmem:$0x18B00] =	vst v63  }
0x18c: {  	_ =	swait.ge [sflag:s17], $0x2710  }
0x18d: {  	[sflag:s17] =	ssyncset.done $0x0  }
0x18e: {  	s3 =	rddreg [dreg:$0x10];
	[sflag:s17] =	ssyncadd.s32 $0xFFFFD8F0  }
0x18f: {  	[tilespmem:s18], [sflag:$0x1] =	stream.linear.gather [hbm4b:s3+s2], $0x2710, $0x38;
	[tilespmem:$0x18B00] =	vst v63  }
0x190: {  	_ =	swait.ge [sflag:s17], $0x2710  }
0x191: {  	s5 =	sadd.s32 $0xFFFFFF80, s21;
	[sflag:s17] =	ssyncset.done $0x0  }
0x192: {  	s1 =	sadd.s32 $0xD0, s5;
	s4 =	rddreg [dreg:$0x11];
	[sflag:s17] =	ssyncadd.s32 $0xFFFFD8F0  }
0x193: {  	[tilespmem:s19], [sflag:$0x1] =	stream.linear.gather [hbm4b:s4+s2], $0x2710, $0x38;
	[tilespmem:$0x18B00] =	vst v63  }
0x194: {  	v1 =	vmov s1;
	_ =	swait.ge [sflag:s17], $0x2710  }
0x195: {  	s6 =	sadd.s32 $0xB0, s5;
	v3 =	vshrl.u32 v1, $0x5;
	[sflag:s17] =	ssyncset.done $0x0  }
0x196: {  	s9 =	sadd.s32 $0x80, s5;
	v5 =	vbroadcast v3, $0x0;
	v3 =	vmov s6;
	s3 =	simm.s32 $0x76C0;
	[sflag:s17] =	ssyncadd.s32 $0xFFFFD8F0  }
0x197: {  	v8 =	vmov s9;
	v3 =	vshrl.u32 v3, $0x5;
	v4 =	vld [tilespmem:s3+$0x30]  }
0x198: {  	s10 =	sadd.s32 $0x90, s5;
	v9 =	vbroadcast v3, $0x0;
	v3 =	vshrl.u32 v8, $0x5;
	v1 =	vld [tilespmem:s3+$0xFFFFFFF0]  }
0x199: {  	s11 =	sadd.s32 $0xA0, s5;
	v8 =	vmov s10;
	v14 =	vbroadcast v3, $0x0;
	v7 =	vld [tilespmem:s3+$0xFFFFFFD0]  }
0x19a: {  	s0 =	sadd.s32 $0xC0, s5;
	v13 =	vmov s11;
	v3 =	vshrl.u32 v8, $0x5;
	v11 =	vld [tilespmem:s3+$0xFFFFFFE0]  }
0x19b: {  	v51 =	vmov s0;
	v8 =	vshrl.u32 v13, $0x5;
	v15 =	vbroadcast v3, $0x0;
	s4 =	sadd.s32 $0xE0, s5;
	v12 =	vld [tilespmem:s3+$0x0]  }
0x19c: {  	v8 =	vbroadcast v8, $0x0;
	v3 =	vshrl.u32 v51, $0x5;
	v2 =	vmov s4;
	v16 =	vld [tilespmem:s3+$0x10]  }
0x19d: {  	s8 =	sadd.s32 $0xF0, s5;
	v17 =	vbroadcast v3, $0x0;
	v2 =	vshrl.u32 v2, $0x5;
	v52 =	vld.idx.msk [tilespmem:v5+s2+$0x0], $0xffff  }
0x19e: {  	v6 =	vbroadcast v2, $0x0;
	v2 =	vmov s8;
	v18 =	vld.idx.msk [tilespmem:v9+s2+$0x0], $0xffff  }
0x19f: {  	v2 =	vshrl.u32 v2, $0x5;
	v20 =	vld.idx.msk [tilespmem:v14+s2+$0x0], $0xffff  }
0x1a0: {  	v10 =	vbroadcast v2, $0x0;
	v2 =	vld [tilespmem:s3+$0x20]  }
0x1a1: {  	v21 =	vld.idx.msk [tilespmem:v15+s2+$0x0], $0xffff  }
0x1a2: {  	v22 =	vld.idx.msk [tilespmem:v8+s2+$0x0], $0xffff  }
0x1a3: {  	s29 =	simm.s32 $0x9E40;
	v23 =	vld.idx.msk [tilespmem:v17+s2+$0x0], $0xffff  }
0x1a4: {  	v3 =	vld.idx.msk [tilespmem:v6+s2+$0x0], $0xffff;
	[tilespmem:s29+$0xFFFFFFF0] =	vst v18  }
0x1a5: {  	[tilespmem:s29+$0x10] =	vst v52;
	v24 =	vld.idx.msk [tilespmem:v9+s18+$0x0], $0xffff  }
0x1a6: {  	[tilespmem:s29+$0xFFFFFFD0] =	vst v21;
	v55 =	vld.idx.msk [tilespmem:v5+s18+$0x0], $0xffff  }
0x1a7: {  	[tilespmem:s29+$0xFFFFFFE0] =	vst v22;
	v19 =	vld.idx.msk [tilespmem:v10+s2+$0x0], $0xffff  }
0x1a8: {  	v56 =	vld.idx.msk [tilespmem:v8+s18+$0x0], $0xffff;
	[tilespmem:s29+$0x0] =	vst v23  }
0x1a9: {  	v57 =	vld.idx.msk [tilespmem:v15+s18+$0x0], $0xffff;
	[tilespmem:s29+$0x20] =	vst v3  }
0x1aa: {  	s12 =	simm.s32 $0xC5C0;
	v3 =	vld [tilespmem:s3+$0xFFFFFFC0];
	[tilespmem:s29+$0xFFFFFFC0] =	vst v20  }
0x1ab: {  	v58 =	vld.idx.msk [tilespmem:v17+s18+$0x0], $0xffff;
	[tilespmem:s12+$0xFFFFFFF0] =	vst v24  }
0x1ac: {  	v53 =	vld.idx.msk [tilespmem:v6+s18+$0x0], $0xffff;
	[tilespmem:s12+$0x10] =	vst v55  }
0x1ad: {  	v59 =	vld.idx.msk [tilespmem:v14+s18+$0x0], $0xffff;
	[tilespmem:s29+$0x30] =	vst v19  }
0x1ae: {  	v9 =	vld.idx.msk [tilespmem:v9+s19+$0x0], $0xffff;
	[tilespmem:s12+$0xFFFFFFE0] =	vst v56  }
0x1af: {  	[tilespmem:s12+$0xFFFFFFD0] =	vst v57;
	v54 =	vld.idx.msk [tilespmem:v10+s18+$0x0], $0xffff  }
0x1b0: {  	v15 =	vld.idx.msk [tilespmem:v15+s19+$0x0], $0xffff;
	[tilespmem:s12+$0x0] =	vst v58  }
0x1b1: {  	v5 =	vld.idx.msk [tilespmem:v5+s19+$0x0], $0xffff;
	[tilespmem:s12+$0x20] =	vst v53  }
0x1b2: {  	s13 =	simm.s32 $0xED40;
	[tilespmem:s12+$0xFFFFFFC0] =	vst v59;
	v6 =	vld.idx.msk [tilespmem:v6+s19+$0x0], $0xffff  }
0x1b3: {  	[tilespmem:s13+$0xFFFFFFF0] =	vst v9;
	v9 =	vld.idx.msk [tilespmem:v14+s19+$0x0], $0xffff  }
0x1b4: {  	v17 =	vld.idx.msk [tilespmem:v17+s19+$0x0], $0xffff;
	[tilespmem:s12+$0x30] =	vst v54  }
0x1b5: {  	[tilespmem:s13+$0xFFFFFFD0] =	vst v15;
	v10 =	vld.idx.msk [tilespmem:v10+s19+$0x0], $0xffff  }
0x1b6: {  	[tilespmem:s13+$0x10] =	vst v5;
	v60 =	vld.idx.msk [tilespmem:v7+s2+$0x0], $0xffff  }
0x1b7: {  	[tilespmem:s13+$0x20] =	vst v6;
	v6 =	vld.idx.msk [tilespmem:v8+s19+$0x0], $0xffff  }
0x1b8: {  	v8 =	vld.idx.msk [tilespmem:v1+s2+$0x0], $0xffff;
	[tilespmem:s13+$0xFFFFFFC0] =	vst v9  }
0x1b9: {  	[tilespmem:s13+$0x0] =	vst v17;
	v9 =	vld.idx.msk [tilespmem:v3+s2+$0x0], $0xffff  }
0x1ba: {  	s14 =	simm.s32 $0x114C0;
	[tilespmem:s13+$0x30] =	vst v10;
	v10 =	vld.idx.msk [tilespmem:v16+s2+$0x0], $0xffff  }
0x1bb: {  	[tilespmem:s14+$0xFFFFFFD0] =	vst v60;
	v5 =	vld.idx.msk [tilespmem:v4+s2+$0x0], $0xffff  }
0x1bc: {  	v15 =	vld.idx.msk [tilespmem:v7+s18+$0x0], $0xffff;
	[tilespmem:s13+$0xFFFFFFE0] =	vst v6  }
0x1bd: {  	v6 =	vld.idx.msk [tilespmem:v12+s2+$0x0], $0xffff;
	[tilespmem:s14+$0xFFFFFFF0] =	vst v8  }
0x1be: {  	v61 =	vld.idx.msk [tilespmem:v11+s2+$0x0], $0xffff;
	[tilespmem:s14+$0xFFFFFFC0] =	vst v9  }
0x1bf: {  	v8 =	vld.idx.msk [tilespmem:v2+s2+$0x0], $0xffff;
	[tilespmem:s14+$0x10] =	vst v10  }
0x1c0: {  	v10 =	vld.idx.msk [tilespmem:v3+s18+$0x0], $0xffff;
	[tilespmem:s14+$0x30] =	vst v5  }
0x1c1: {  	v5 =	vld.idx.msk [tilespmem:v4+s18+$0x0], $0xffff  }
0x1c2: {  	v62 =	vld.idx.msk [tilespmem:v16+s18+$0x0], $0xffff;
	[tilespmem:s14+$0x0] =	vst v6  }
0x1c3: {  	[tilespmem:s14+$0xFFFFFFE0] =	vst v61;
	v6 =	vld.idx.msk [tilespmem:v12+s18+$0x0], $0xffff  }
0x1c4: {  	s30 =	simm.s32 $0x13C40;
	[tilespmem:s14+$0x20] =	vst v8;
	v14 =	vld.idx.msk [tilespmem:v11+s18+$0x0], $0xffff  }
0x1c5: {  	[tilespmem:s30+$0xFFFFFFD0] =	vst v15;
	v63 =	vld.idx.msk [tilespmem:v2+s18+$0x0], $0xffff  }
0x1c6: {  	v9 =	vld.idx.msk [tilespmem:v7+s19+$0x0], $0xffff;
	[tilespmem:s30+$0x30] =	vst v5  }
0x1c7: {  	[tilespmem:s30+$0x10] =	vst v62;
	v4 =	vld.idx.msk [tilespmem:v4+s19+$0x0], $0xffff  }
0x1c8: {  	s31 =	simm.s32 $0x163C0;
	s0 =	simm.s32 $0x11540;
	v8 =	vld.idx.msk [tilespmem:v16+s19+$0x0], $0xffff;
	[tilespmem:s30+$0x0] =	vst v6  }
0x1c9: {  	s1 =	simm.s32 $0x0;
	s6 =	simm.s32 $0xC640;
	s5 =	simm.s32 $0x7740;
	[tilespmem:s30+$0xFFFFFFE0] =	vst v14;
	v6 =	vld.idx.msk [tilespmem:v12+s19+$0x0], $0xffff  }
0x1ca: {  	s4 =	simm.s32 $0x16440;
	s8 =	simm.s32 $0xEDC0;
	s3 =	simm.s32 $0x13CC0;
	[tilespmem:s30+$0x20] =	vst v63;
	v5 =	vld.idx.msk [tilespmem:v11+s19+$0x0], $0xffff  }
.LBB2_6:
0x1cb: {  	s9 =	sadd.s32 s1, s21;
	s1 =	sadd.s32 $0x80, s1;
	[tilespmem:s30+$0xFFFFFFC0] =	vst v10;
	v7 =	vld.idx.msk [tilespmem:v1+s18+$0x0], $0xffff;
	s29 =	sadd.s32 $0x80, s29  }
0x1cc: {  	s10 =	sadd.s32 $0xA0, s9;
	s11 =	sadd.s32 $0xD0, s9;
	s12 =	sadd.s32 $0xE0, s9;
	v3 =	vld.idx.msk [tilespmem:v3+s19+$0x0], $0xffff;
	[tilespmem:s31+$0x30] =	vst v4  }
0x1cd: {  	s13 =	sadd.s32 $0x80, s9;
	s14 =	sadd.s32 $0x90, s9;
	v10 =	vmov s10;
	s10 =	sadd.s32 $0xC0, s9;
	v11 =	vmov s11;
	v12 =	vmov s12;
	v4 =	vld [tilespmem:s5+$0x30]  }
0x1ce: {  	p0 =	slt.u32 s1, $0x2680;
	v10 =	vshrl.u32 v10, $0x5;
	v11 =	vshrl.u32 v11, $0x5;
	v12 =	vshrl.u32 v12, $0x5;
	[tilespmem:s31+$0xFFFFFFD0] =	vst v9;
	v9 =	vld.idx.msk [tilespmem:v2+s19+$0x0], $0xffff  }
0x1cf: {  	s11 =	sadd.s32 $0xB0, s9;
	s9 =	sadd.s32 $0xF0, s9;
	v2 =	vmov s13;
	v13 =	vld [tilespmem:s5+$0xFFFFFFF0];
	v11 =	vbroadcast v11, $0x0;
	v12 =	vbroadcast v12, $0x0;
	[tilespmem:s31+$0x0] =	vst v6  }
0x1d0: {  	v14 =	vmov s11;
	v15 =	vmov s9;
	v2 =	vshrl.u32 v2, $0x5;
	v6 =	vld [tilespmem:s5+$0xFFFFFFD0];
	[tilespmem:s31+$0xFFFFFFE0] =	vst v5  }
0x1d1: {  	v10 =	vbroadcast v10, $0x0;
	v14 =	vshrl.u32 v14, $0x5;
	v15 =	vshrl.u32 v15, $0x5;
	v5 =	vld [tilespmem:s5+$0xFFFFFFE0];
	[tilespmem:s30+$0xFFFFFFF0] =	vst v7;
	s30 =	smov.u32 s3  }
0x1d2: {  	v16 =	vbroadcast v2, $0x0;
	v2 =	vmov s14;
	v14 =	vbroadcast v14, $0x0;
	[tilespmem:s31+$0xFFFFFFC0] =	vst v3;
	v3 =	vld.idx.msk [tilespmem:v1+s19+$0x0], $0xffff  }
0x1d3: {  	v18 =	vmov s10;
	v15 =	vbroadcast v15, $0x0;
	v17 =	vshrl.u32 v2, $0x5;
	v7 =	vld [tilespmem:s5+$0x0];
	[tilespmem:s31+$0x10] =	vst v8  }
0x1d4: {  	v8 =	vshrl.u32 v18, $0x5;
	v2 =	vld [tilespmem:s5+$0x20];
	[tilespmem:s31+$0x20] =	vst v9;
	v1 =	vmov v13  }
0x1d5: {  	v9 =	vbroadcast v17, $0x0;
	v13 =	vld [tilespmem:s5+$0x10]  }
0x1d6: {  	v17 =	vld.idx.msk [tilespmem:v11+s2+$0x0], $0xffff  }
0x1d7: {  	v8 =	vbroadcast v8, $0x0;
	v18 =	vld.idx.msk [tilespmem:v12+s2+$0x0], $0xffff  }
0x1d8: {  	v19 =	vld.idx.msk [tilespmem:v14+s2+$0x0], $0xffff;
	[tilespmem:s31+$0xFFFFFFF0] =	vst v3;
	s31 =	smov.u32 s4  }
0x1d9: {  	v3 =	vld.idx.msk [tilespmem:v15+s2+$0x0], $0xffff  }
0x1da: {  	v20 =	vld.idx.msk [tilespmem:v16+s2+$0x0], $0xffff  }
0x1db: {  	v21 =	vld.idx.msk [tilespmem:v9+s2+$0x0], $0xffff  }
0x1dc: {  	v22 =	vld.idx.msk [tilespmem:v10+s2+$0x0], $0xffff;
	[tilespmem:s29+$0x10] =	vst v17  }
0x1dd: {  	v17 =	vld.idx.msk [tilespmem:v8+s2+$0x0], $0xffff;
	[tilespmem:s29+$0x20] =	vst v18  }
0x1de: {  	[tilespmem:s29+$0xFFFFFFF0] =	vst v19;
	v18 =	vld.idx.msk [tilespmem:v12+s18+$0x0], $0xffff  }
0x1df: {  	v19 =	vld.idx.msk [tilespmem:v14+s18+$0x0], $0xffff;
	[tilespmem:s29+$0x30] =	vst v3  }
0x1e0: {  	v23 =	vld.idx.msk [tilespmem:v15+s18+$0x0], $0xffff  }
0x1e1: {  	v3 =	vld [tilespmem:s5+$0xFFFFFFC0];
	[tilespmem:s29+$0xFFFFFFD0] =	vst v21  }
0x1e2: {  	[tilespmem:s29+$0xFFFFFFE0] =	vst v22;
	v21 =	vld.idx.msk [tilespmem:v11+s18+$0x0], $0xffff  }
0x1e3: {  	v22 =	vld.idx.msk [tilespmem:v10+s18+$0x0], $0xffff;
	[tilespmem:s29+$0x0] =	vst v17  }
0x1e4: {  	v17 =	vld.idx.msk [tilespmem:v9+s18+$0x0], $0xffff;
	[tilespmem:s6+$0x20] =	vst v18  }
0x1e5: {  	[tilespmem:s6+$0xFFFFFFF0] =	vst v19;
	v18 =	vld.idx.msk [tilespmem:v8+s18+$0x0], $0xffff  }
0x1e6: {  	v12 =	vld.idx.msk [tilespmem:v12+s19+$0x0], $0xffff;
	[tilespmem:s6+$0x30] =	vst v23  }
0x1e7: {  	[tilespmem:s29+$0xFFFFFFC0] =	vst v20;
	v14 =	vld.idx.msk [tilespmem:v14+s19+$0x0], $0xffff  }
0x1e8: {  	v19 =	vld.idx.msk [tilespmem:v16+s18+$0x0], $0xffff;
	[tilespmem:s6+$0x10] =	vst v21  }
0x1e9: {  	[tilespmem:s6+$0xFFFFFFE0] =	vst v22;
	v15 =	vld.idx.msk [tilespmem:v15+s19+$0x0], $0xffff  }
0x1ea: {  	[tilespmem:s6+$0xFFFFFFD0] =	vst v17;
	v11 =	vld.idx.msk [tilespmem:v11+s19+$0x0], $0xffff  }
0x1eb: {  	v9 =	vld.idx.msk [tilespmem:v9+s19+$0x0], $0xffff;
	[tilespmem:s6+$0x0] =	vst v18  }
0x1ec: {  	v8 =	vld.idx.msk [tilespmem:v8+s19+$0x0], $0xffff;
	[tilespmem:s8+$0x20] =	vst v12  }
0x1ed: {  	v10 =	vld.idx.msk [tilespmem:v10+s19+$0x0], $0xffff;
	[tilespmem:s8+$0xFFFFFFF0] =	vst v14  }
0x1ee: {  	[tilespmem:s6+$0xFFFFFFC0] =	vst v19;
	v12 =	vld.idx.msk [tilespmem:v1+s2+$0x0], $0xffff  }
0x1ef: {  	v14 =	vld.idx.msk [tilespmem:v16+s19+$0x0], $0xffff;
	[tilespmem:s8+$0x30] =	vst v15  }
0x1f0: {  	[tilespmem:s8+$0x10] =	vst v11;
	v11 =	vld.idx.msk [tilespmem:v4+s2+$0x0], $0xffff  }
0x1f1: {  	[tilespmem:s8+$0xFFFFFFD0] =	vst v9;
	v9 =	vld.idx.msk [tilespmem:v13+s2+$0x0], $0xffff  }
0x1f2: {  	v15 =	vld.idx.msk [tilespmem:v6+s2+$0x0], $0xffff;
	[tilespmem:s8+$0x0] =	vst v8  }
0x1f3: {  	[tilespmem:s8+$0xFFFFFFE0] =	vst v10;
	v8 =	vld.idx.msk [tilespmem:v7+s2+$0x0], $0xffff  }
0x1f4: {  	v10 =	vld.idx.msk [tilespmem:v5+s2+$0x0], $0xffff;
	[tilespmem:s0+$0xFFFFFFF0] =	vst v12  }
0x1f5: {  	[tilespmem:s8+$0xFFFFFFC0] =	vst v14;
	v12 =	vld.idx.msk [tilespmem:v2+s2+$0x0], $0xffff  }
0x1f6: {  	v14 =	vld.idx.msk [tilespmem:v3+s2+$0x0], $0xffff;
	[tilespmem:s0+$0x30] =	vst v11  }
0x1f7: {  	[tilespmem:s0+$0x10] =	vst v9;
	v9 =	vld.idx.msk [tilespmem:v4+s18+$0x0], $0xffff  }
0x1f8: {  	[tilespmem:s0+$0xFFFFFFD0] =	vst v15;
	v11 =	vld.idx.msk [tilespmem:v13+s18+$0x0], $0xffff  }
0x1f9: {  	v15 =	vld.idx.msk [tilespmem:v6+s18+$0x0], $0xffff;
	[tilespmem:s0+$0x0] =	vst v8  }
0x1fa: {  	[tilespmem:s0+$0xFFFFFFE0] =	vst v10;
	v16 =	vld.idx.msk [tilespmem:v7+s18+$0x0], $0xffff  }
0x1fb: {  	v17 =	vld.idx.msk [tilespmem:v5+s18+$0x0], $0xffff;
	[tilespmem:s0+$0x20] =	vst v12  }
0x1fc: {  	[tilespmem:s0+$0xFFFFFFC0] =	vst v14;
	v12 =	vld.idx.msk [tilespmem:v2+s18+$0x0], $0xffff  }
0x1fd: {  	v10 =	vld.idx.msk [tilespmem:v3+s18+$0x0], $0xffff;
	[tilespmem:s3+$0x30] =	vst v9  }
.Ltmp2:
0x1fe: {  	[tilespmem:s3+$0x10] =	vst v11;
	v4 =	vld.idx.msk [tilespmem:v4+s19+$0x0], $0xffff;
	(pc) =	sbr.rel @p0 .LBB2_6-.Ltmp2, $4  }
0x1ff: {  	[tilespmem:s3+$0xFFFFFFD0] =	vst v15;
	v8 =	vld.idx.msk [tilespmem:v13+s19+$0x0], $0xffff  }
0x200: {  	v9 =	vld.idx.msk [tilespmem:v6+s19+$0x0], $0xffff;
	[tilespmem:s3+$0x0] =	vst v16  }
0x201: {  	s4 =	sadd.s32 $0x80, s4;
	s0 =	sadd.s32 $0x80, s0;
	s3 =	sadd.s32 $0x80, s3;
	[tilespmem:s30+$0xFFFFFFE0] =	vst v17;
	v6 =	vld.idx.msk [tilespmem:v7+s19+$0x0], $0xffff  }
0x202: {  	s5 =	sadd.s32 $0x80, s5;
	s6 =	sadd.s32 $0x80, s6;
	s8 =	sadd.s32 $0x80, s8;
	v5 =	vld.idx.msk [tilespmem:v5+s19+$0x0], $0xffff;
	[tilespmem:s30+$0x20] =	vst v12  }
0x203: {  	_ =	sdelay $0x3  }
0x204: {  	v7 =	vld.idx.msk [tilespmem:v1+s18+$0x0], $0xffff;
	_ =	sdelay $0x1  }
0x205: {  	[tilespmem:s30+$0xFFFFFFC0] =	vst v10  }
0x206: {  	[tilespmem:s31+$0x30] =	vst v4  }
0x207: {  	v2 =	vld.idx.msk [tilespmem:v2+s19+$0x0], $0xffff;
	[tilespmem:s31+$0x10] =	vst v8  }
0x208: {  	v3 =	vld.idx.msk [tilespmem:v3+s19+$0x0], $0xffff;
	[tilespmem:s30+$0xFFFFFFF0] =	vst v7  }
0x209: {  	[tilespmem:s31+$0xFFFFFFD0] =	vst v9;
	v1 =	vld.idx.msk [tilespmem:v1+s19+$0x0], $0xffff  }
0x20a: {  	[tilespmem:s31+$0x0] =	vst v6  }
0x20b: {  	[tilespmem:s31+$0xFFFFFFE0] =	vst v5  }
0x20c: {  	[tilespmem:s31+$0x20] =	vst v2  }
0x20d: {  	[tilespmem:s31+$0xFFFFFFC0] =	vst v3  }
0x20e: {  	[tilespmem:s31+$0xFFFFFFF0] =	vst v1  }
0x20f: {  	v1 =	vld.idx.msk [tilespmem:v0+s2+$0x0], $0xffff;
	_ =	sdelay $0x4  }
0x210: {  	[tilespmem:$0xC500] =	vst v1  }
0x211: {  	v1 =	vld.idx.msk [tilespmem:v0+s18+$0x0], $0xffff;
	_ =	sdelay $0x3  }
0x212: {  	v2 =	vld [tilespmem:$0x9D80]  }
0x213: {  	[tilespmem:$0xEC80] =	vst v1  }
0x214: {  	v1 =	vld.idx.msk [tilespmem:v0+s19+$0x0], $0xffff;
	_ =	sdelay $0x4  }
0x215: {  	[tilespmem:$0x11400] =	vst v1  }
0x216: {  	v1 =	vld.idx.msk [tilespmem:v2+s2+$0x0], $0xffff;
	_ =	sdelay $0x4  }
0x217: {  	[tilespmem:$0x13B80] =	vst v1  }
0x218: {  	v1 =	vld.idx.msk [tilespmem:v2+s18+$0x0], $0xffff;
	_ =	sdelay $0x4  }
0x219: {  	[tilespmem:$0x16300] =	vst v1  }
0x21a: {  	v1 =	vld.idx.msk [tilespmem:v2+s19+$0x0], $0xffff;
	_ =	sdelay $0x4  }
0x21b: {  	s0 =	rddreg [dreg:$0x1f];
	[tilespmem:$0x18A80] =	vst v1  }
0x21c: {  	[hbm4b:s0+s2] =	stream.linear.scatter [tilespmem:s20], [sflag:$0x1], $0x2710, $0x38;
	[tilespmem:$0x18B00] =	vst v63  }
0x21d: {  	_ =	swait.ge [sflag:s17], $0x2710  }
0x21e: {  	s9 =	sld [smem:$0x7F4]  }
0x21f: {  	[sflag:s17] =	ssyncset.done $0x0  }
0x220: {  	[sflag:s17] =	ssyncadd.s32 $0xFFFFD8F0  }
0x221: {  	[hbm4b:s9+s2] =	stream.linear.scatter [tilespmem:s22], [sflag:$0x1], $0x2710, $0x38;
	[tilespmem:$0x18B00] =	vst v63  }
0x222: {  	_ =	swait.ge [sflag:s17], $0x2710  }
0x223: {  	s10 =	sld [smem:$0x7F5]  }
0x224: {  	[sflag:s17] =	ssyncset.done $0x0  }
0x225: {  	[sflag:s17] =	ssyncadd.s32 $0xFFFFD8F0  }
0x226: {  	[hbm4b:s10+s2] =	stream.linear.scatter [tilespmem:s23], [sflag:$0x1], $0x2710, $0x38;
	[tilespmem:$0x18B00] =	vst v63  }
0x227: {  	_ =	swait.ge [sflag:s17], $0x2710  }
0x228: {  	s11 =	sld [smem:$0x7F6]  }
0x229: {  	[sflag:s17] =	ssyncset.done $0x0  }
0x22a: {  	[sflag:s17] =	ssyncadd.s32 $0xFFFFD8F0  }
0x22b: {  	[hbm4b:s11+s2] =	stream.linear.scatter [tilespmem:s24], [sflag:$0x1], $0x2710, $0x38;
	[tilespmem:$0x18B00] =	vst v63  }
0x22c: {  	_ =	swait.ge [sflag:s17], $0x2710  }
0x22d: {  	s12 =	sld [smem:$0x7F7]  }
0x22e: {  	[sflag:s17] =	ssyncset.done $0x0  }
0x22f: {  	[sflag:s17] =	ssyncadd.s32 $0xFFFFD8F0  }
0x230: {  	[hbm4b:s12+s2] =	stream.linear.scatter [tilespmem:s25], [sflag:$0x1], $0x2710, $0x38;
	[tilespmem:$0x18B00] =	vst v63  }
0x231: {  	_ =	swait.ge [sflag:s17], $0x2710  }
0x232: {  	s13 =	sld [smem:$0x7F8]  }
0x233: {  	[sflag:s17] =	ssyncset.done $0x0  }
0x234: {  	[sflag:s17] =	ssyncadd.s32 $0xFFFFD8F0  }
0x235: {  	[hbm4b:s13+s2] =	stream.linear.scatter [tilespmem:s26], [sflag:$0x1], $0x2710, $0x38;
	[tilespmem:$0x18B00] =	vst v63  }
0x236: {  	_ =	swait.ge [sflag:s17], $0x2710  }
0x237: {  	[sflag:s17] =	ssyncset.done $0x0  }
0x238: {  	s14 =	rddreg [dreg:$0x12];
	[sflag:s17] =	ssyncadd.s32 $0xFFFFD8F0  }
0x239: {  	[tilespmem:s16], [sflag:$0x1] =	stream.linear.gather [hbm4b:s14+s2], $0x2710, $0x38;
	[tilespmem:$0x18B00] =	vst v63  }
0x23a: {  	_ =	swait.ge [sflag:s17], $0x2710  }
0x23b: {  	[sflag:s17] =	ssyncset.done $0x0  }
0x23c: {  	s1 =	rddreg [dreg:$0x13];
	[sflag:s17] =	ssyncadd.s32 $0xFFFFD8F0  }
0x23d: {  	[tilespmem:s2], [sflag:$0x1] =	stream.linear.gather [hbm4b:s1+s2], $0x2710, $0x38;
	[tilespmem:$0x18B00] =	vst v63  }
0x23e: {  	_ =	swait.ge [sflag:s17], $0x2710  }
0x23f: {  	[sflag:s17] =	ssyncset.done $0x0  }
0x240: {  	s3 =	rddreg [dreg:$0x14];
	[sflag:s17] =	ssyncadd.s32 $0xFFFFD8F0  }
0x241: {  	[tilespmem:s18], [sflag:$0x1] =	stream.linear.gather [hbm4b:s3+s2], $0x2710, $0x38;
	[tilespmem:$0x18B00] =	vst v63  }
0x242: {  	_ =	swait.ge [sflag:s17], $0x2710  }
0x243: {  	s5 =	sadd.s32 $0xFFFFFF80, s21;
	[sflag:s17] =	ssyncset.done $0x0  }
0x244: {  	s1 =	sadd.s32 $0xD0, s5;
	s4 =	rddreg [dreg:$0x15];
	[sflag:s17] =	ssyncadd.s32 $0xFFFFD8F0  }
0x245: {  	[tilespmem:s19], [sflag:$0x1] =	stream.linear.gather [hbm4b:s4+s2], $0x2710, $0x38;
	[tilespmem:$0x18B00] =	vst v63  }
0x246: {  	v1 =	vmov s1;
	_ =	swait.ge [sflag:s17], $0x2710  }
0x247: {  	s6 =	sadd.s32 $0xB0, s5;
	v3 =	vshrl.u32 v1, $0x5;
	[sflag:s17] =	ssyncset.done $0x0  }
0x248: {  	s9 =	sadd.s32 $0x80, s5;
	v5 =	vbroadcast v3, $0x0;
	v3 =	vmov s6;
	s3 =	simm.s32 $0x76C0;
	[sflag:s17] =	ssyncadd.s32 $0xFFFFD8F0  }
0x249: {  	v8 =	vmov s9;
	v3 =	vshrl.u32 v3, $0x5;
	v4 =	vld [tilespmem:s3+$0x30]  }
0x24a: {  	s10 =	sadd.s32 $0x90, s5;
	v9 =	vbroadcast v3, $0x0;
	v3 =	vshrl.u32 v8, $0x5;
	v1 =	vld [tilespmem:s3+$0xFFFFFFF0]  }
0x24b: {  	s11 =	sadd.s32 $0xA0, s5;
	v8 =	vmov s10;
	v14 =	vbroadcast v3, $0x0;
	v7 =	vld [tilespmem:s3+$0xFFFFFFD0]  }
0x24c: {  	s0 =	sadd.s32 $0xC0, s5;
	v13 =	vmov s11;
	v3 =	vshrl.u32 v8, $0x5;
	v11 =	vld [tilespmem:s3+$0xFFFFFFE0]  }
0x24d: {  	v51 =	vmov s0;
	v8 =	vshrl.u32 v13, $0x5;
	v15 =	vbroadcast v3, $0x0;
	s4 =	sadd.s32 $0xE0, s5;
	v12 =	vld [tilespmem:s3+$0x0]  }
0x24e: {  	v8 =	vbroadcast v8, $0x0;
	v3 =	vshrl.u32 v51, $0x5;
	v2 =	vmov s4;
	v16 =	vld [tilespmem:s3+$0x10]  }
0x24f: {  	s8 =	sadd.s32 $0xF0, s5;
	v17 =	vbroadcast v3, $0x0;
	v2 =	vshrl.u32 v2, $0x5;
	v52 =	vld.idx.msk [tilespmem:v5+s2+$0x0], $0xffff  }
0x250: {  	v6 =	vbroadcast v2, $0x0;
	v2 =	vmov s8;
	v18 =	vld.idx.msk [tilespmem:v9+s2+$0x0], $0xffff  }
0x251: {  	v2 =	vshrl.u32 v2, $0x5;
	v20 =	vld.idx.msk [tilespmem:v14+s2+$0x0], $0xffff  }
0x252: {  	v10 =	vbroadcast v2, $0x0;
	v2 =	vld [tilespmem:s3+$0x20]  }
0x253: {  	v21 =	vld.idx.msk [tilespmem:v15+s2+$0x0], $0xffff  }
0x254: {  	v22 =	vld.idx.msk [tilespmem:v8+s2+$0x0], $0xffff  }
0x255: {  	s29 =	simm.s32 $0x9E40;
	v23 =	vld.idx.msk [tilespmem:v17+s2+$0x0], $0xffff  }
0x256: {  	v3 =	vld.idx.msk [tilespmem:v6+s2+$0x0], $0xffff;
	[tilespmem:s29+$0xFFFFFFF0] =	vst v18  }
0x257: {  	[tilespmem:s29+$0x10] =	vst v52;
	v24 =	vld.idx.msk [tilespmem:v9+s18+$0x0], $0xffff  }
0x258: {  	[tilespmem:s29+$0xFFFFFFD0] =	vst v21;
	v55 =	vld.idx.msk [tilespmem:v5+s18+$0x0], $0xffff  }
0x259: {  	[tilespmem:s29+$0xFFFFFFE0] =	vst v22;
	v19 =	vld.idx.msk [tilespmem:v10+s2+$0x0], $0xffff  }
0x25a: {  	v56 =	vld.idx.msk [tilespmem:v8+s18+$0x0], $0xffff;
	[tilespmem:s29+$0x0] =	vst v23  }
0x25b: {  	v57 =	vld.idx.msk [tilespmem:v15+s18+$0x0], $0xffff;
	[tilespmem:s29+$0x20] =	vst v3  }
0x25c: {  	s12 =	simm.s32 $0xC5C0;
	v3 =	vld [tilespmem:s3+$0xFFFFFFC0];
	[tilespmem:s29+$0xFFFFFFC0] =	vst v20  }
0x25d: {  	v58 =	vld.idx.msk [tilespmem:v17+s18+$0x0], $0xffff;
	[tilespmem:s12+$0xFFFFFFF0] =	vst v24  }
0x25e: {  	v53 =	vld.idx.msk [tilespmem:v6+s18+$0x0], $0xffff;
	[tilespmem:s12+$0x10] =	vst v55  }
0x25f: {  	v59 =	vld.idx.msk [tilespmem:v14+s18+$0x0], $0xffff;
	[tilespmem:s29+$0x30] =	vst v19  }
0x260: {  	v9 =	vld.idx.msk [tilespmem:v9+s19+$0x0], $0xffff;
	[tilespmem:s12+$0xFFFFFFE0] =	vst v56  }
0x261: {  	[tilespmem:s12+$0xFFFFFFD0] =	vst v57;
	v54 =	vld.idx.msk [tilespmem:v10+s18+$0x0], $0xffff  }
0x262: {  	v15 =	vld.idx.msk [tilespmem:v15+s19+$0x0], $0xffff;
	[tilespmem:s12+$0x0] =	vst v58  }
0x263: {  	v5 =	vld.idx.msk [tilespmem:v5+s19+$0x0], $0xffff;
	[tilespmem:s12+$0x20] =	vst v53  }
0x264: {  	s13 =	simm.s32 $0xED40;
	[tilespmem:s12+$0xFFFFFFC0] =	vst v59;
	v6 =	vld.idx.msk [tilespmem:v6+s19+$0x0], $0xffff  }
0x265: {  	[tilespmem:s13+$0xFFFFFFF0] =	vst v9;
	v9 =	vld.idx.msk [tilespmem:v14+s19+$0x0], $0xffff  }
0x266: {  	v17 =	vld.idx.msk [tilespmem:v17+s19+$0x0], $0xffff;
	[tilespmem:s12+$0x30] =	vst v54  }
0x267: {  	[tilespmem:s13+$0xFFFFFFD0] =	vst v15;
	v10 =	vld.idx.msk [tilespmem:v10+s19+$0x0], $0xffff  }
0x268: {  	[tilespmem:s13+$0x10] =	vst v5;
	v60 =	vld.idx.msk [tilespmem:v7+s2+$0x0], $0xffff  }
0x269: {  	[tilespmem:s13+$0x20] =	vst v6;
	v6 =	vld.idx.msk [tilespmem:v8+s19+$0x0], $0xffff  }
0x26a: {  	v8 =	vld.idx.msk [tilespmem:v1+s2+$0x0], $0xffff;
	[tilespmem:s13+$0xFFFFFFC0] =	vst v9  }
0x26b: {  	[tilespmem:s13+$0x0] =	vst v17;
	v9 =	vld.idx.msk [tilespmem:v3+s2+$0x0], $0xffff  }
0x26c: {  	s14 =	simm.s32 $0x114C0;
	[tilespmem:s13+$0x30] =	vst v10;
	v10 =	vld.idx.msk [tilespmem:v16+s2+$0x0], $0xffff  }
0x26d: {  	[tilespmem:s14+$0xFFFFFFD0] =	vst v60;
	v5 =	vld.idx.msk [tilespmem:v4+s2+$0x0], $0xffff  }
0x26e: {  	v15 =	vld.idx.msk [tilespmem:v7+s18+$0x0], $0xffff;
	[tilespmem:s13+$0xFFFFFFE0] =	vst v6  }
0x26f: {  	v6 =	vld.idx.msk [tilespmem:v12+s2+$0x0], $0xffff;
	[tilespmem:s14+$0xFFFFFFF0] =	vst v8  }
0x270: {  	v61 =	vld.idx.msk [tilespmem:v11+s2+$0x0], $0xffff;
	[tilespmem:s14+$0xFFFFFFC0] =	vst v9  }
0x271: {  	v8 =	vld.idx.msk [tilespmem:v2+s2+$0x0], $0xffff;
	[tilespmem:s14+$0x10] =	vst v10  }
0x272: {  	v10 =	vld.idx.msk [tilespmem:v3+s18+$0x0], $0xffff;
	[tilespmem:s14+$0x30] =	vst v5  }
0x273: {  	v5 =	vld.idx.msk [tilespmem:v4+s18+$0x0], $0xffff  }
0x274: {  	v62 =	vld.idx.msk [tilespmem:v16+s18+$0x0], $0xffff;
	[tilespmem:s14+$0x0] =	vst v6  }
0x275: {  	[tilespmem:s14+$0xFFFFFFE0] =	vst v61;
	v6 =	vld.idx.msk [tilespmem:v12+s18+$0x0], $0xffff  }
0x276: {  	s30 =	simm.s32 $0x13C40;
	[tilespmem:s14+$0x20] =	vst v8;
	v14 =	vld.idx.msk [tilespmem:v11+s18+$0x0], $0xffff  }
0x277: {  	[tilespmem:s30+$0xFFFFFFD0] =	vst v15;
	v63 =	vld.idx.msk [tilespmem:v2+s18+$0x0], $0xffff  }
0x278: {  	v9 =	vld.idx.msk [tilespmem:v7+s19+$0x0], $0xffff;
	[tilespmem:s30+$0x30] =	vst v5  }
0x279: {  	[tilespmem:s30+$0x10] =	vst v62;
	v4 =	vld.idx.msk [tilespmem:v4+s19+$0x0], $0xffff  }
0x27a: {  	s31 =	simm.s32 $0x163C0;
	s0 =	simm.s32 $0x11540;
	v8 =	vld.idx.msk [tilespmem:v16+s19+$0x0], $0xffff;
	[tilespmem:s30+$0x0] =	vst v6  }
0x27b: {  	s1 =	simm.s32 $0x0;
	s6 =	simm.s32 $0xC640;
	s5 =	simm.s32 $0x7740;
	[tilespmem:s30+$0xFFFFFFE0] =	vst v14;
	v6 =	vld.idx.msk [tilespmem:v12+s19+$0x0], $0xffff  }
0x27c: {  	s4 =	simm.s32 $0x16440;
	s8 =	simm.s32 $0xEDC0;
	s3 =	simm.s32 $0x13CC0;
	[tilespmem:s30+$0x20] =	vst v63;
	v5 =	vld.idx.msk [tilespmem:v11+s19+$0x0], $0xffff  }
.LBB2_8:
0x27d: {  	s9 =	sadd.s32 s1, s21;
	s1 =	sadd.s32 $0x80, s1;
	[tilespmem:s30+$0xFFFFFFC0] =	vst v10;
	v7 =	vld.idx.msk [tilespmem:v1+s18+$0x0], $0xffff;
	s29 =	sadd.s32 $0x80, s29  }
0x27e: {  	s10 =	sadd.s32 $0xA0, s9;
	s11 =	sadd.s32 $0xD0, s9;
	s12 =	sadd.s32 $0xE0, s9;
	v3 =	vld.idx.msk [tilespmem:v3+s19+$0x0], $0xffff;
	[tilespmem:s31+$0x30] =	vst v4  }
0x27f: {  	s13 =	sadd.s32 $0x80, s9;
	s14 =	sadd.s32 $0x90, s9;
	v10 =	vmov s10;
	s10 =	sadd.s32 $0xC0, s9;
	v11 =	vmov s11;
	v12 =	vmov s12;
	v4 =	vld [tilespmem:s5+$0x30]  }
0x280: {  	p0 =	slt.u32 s1, $0x2680;
	v10 =	vshrl.u32 v10, $0x5;
	v11 =	vshrl.u32 v11, $0x5;
	v12 =	vshrl.u32 v12, $0x5;
	[tilespmem:s31+$0xFFFFFFD0] =	vst v9;
	v9 =	vld.idx.msk [tilespmem:v2+s19+$0x0], $0xffff  }
0x281: {  	s11 =	sadd.s32 $0xB0, s9;
	s9 =	sadd.s32 $0xF0, s9;
	v2 =	vmov s13;
	v13 =	vld [tilespmem:s5+$0xFFFFFFF0];
	v11 =	vbroadcast v11, $0x0;
	v12 =	vbroadcast v12, $0x0;
	[tilespmem:s31+$0x0] =	vst v6  }
0x282: {  	v14 =	vmov s11;
	v15 =	vmov s9;
	v2 =	vshrl.u32 v2, $0x5;
	v6 =	vld [tilespmem:s5+$0xFFFFFFD0];
	[tilespmem:s31+$0xFFFFFFE0] =	vst v5  }
0x283: {  	v10 =	vbroadcast v10, $0x0;
	v14 =	vshrl.u32 v14, $0x5;
	v15 =	vshrl.u32 v15, $0x5;
	v5 =	vld [tilespmem:s5+$0xFFFFFFE0];
	[tilespmem:s30+$0xFFFFFFF0] =	vst v7;
	s30 =	smov.u32 s3  }
0x284: {  	v16 =	vbroadcast v2, $0x0;
	v2 =	vmov s14;
	v14 =	vbroadcast v14, $0x0;
	[tilespmem:s31+$0xFFFFFFC0] =	vst v3;
	v3 =	vld.idx.msk [tilespmem:v1+s19+$0x0], $0xffff  }
0x285: {  	v18 =	vmov s10;
	v15 =	vbroadcast v15, $0x0;
	v17 =	vshrl.u32 v2, $0x5;
	v7 =	vld [tilespmem:s5+$0x0];
	[tilespmem:s31+$0x10] =	vst v8  }
0x286: {  	v8 =	vshrl.u32 v18, $0x5;
	v2 =	vld [tilespmem:s5+$0x20];
	[tilespmem:s31+$0x20] =	vst v9;
	v1 =	vmov v13  }
0x287: {  	v9 =	vbroadcast v17, $0x0;
	v13 =	vld [tilespmem:s5+$0x10]  }
0x288: {  	v17 =	vld.idx.msk [tilespmem:v11+s2+$0x0], $0xffff  }
0x289: {  	v8 =	vbroadcast v8, $0x0;
	v18 =	vld.idx.msk [tilespmem:v12+s2+$0x0], $0xffff  }
0x28a: {  	v19 =	vld.idx.msk [tilespmem:v14+s2+$0x0], $0xffff;
	[tilespmem:s31+$0xFFFFFFF0] =	vst v3;
	s31 =	smov.u32 s4  }
0x28b: {  	v3 =	vld.idx.msk [tilespmem:v15+s2+$0x0], $0xffff  }
0x28c: {  	v20 =	vld.idx.msk [tilespmem:v16+s2+$0x0], $0xffff  }
0x28d: {  	v21 =	vld.idx.msk [tilespmem:v9+s2+$0x0], $0xffff  }
0x28e: {  	v22 =	vld.idx.msk [tilespmem:v10+s2+$0x0], $0xffff;
	[tilespmem:s29+$0x10] =	vst v17  }
0x28f: {  	v17 =	vld.idx.msk [tilespmem:v8+s2+$0x0], $0xffff;
	[tilespmem:s29+$0x20] =	vst v18  }
0x290: {  	[tilespmem:s29+$0xFFFFFFF0] =	vst v19;
	v18 =	vld.idx.msk [tilespmem:v12+s18+$0x0], $0xffff  }
0x291: {  	v19 =	vld.idx.msk [tilespmem:v14+s18+$0x0], $0xffff;
	[tilespmem:s29+$0x30] =	vst v3  }
0x292: {  	v23 =	vld.idx.msk [tilespmem:v15+s18+$0x0], $0xffff  }
0x293: {  	v3 =	vld [tilespmem:s5+$0xFFFFFFC0];
	[tilespmem:s29+$0xFFFFFFD0] =	vst v21  }
0x294: {  	[tilespmem:s29+$0xFFFFFFE0] =	vst v22;
	v21 =	vld.idx.msk [tilespmem:v11+s18+$0x0], $0xffff  }
0x295: {  	v22 =	vld.idx.msk [tilespmem:v10+s18+$0x0], $0xffff;
	[tilespmem:s29+$0x0] =	vst v17  }
0x296: {  	v17 =	vld.idx.msk [tilespmem:v9+s18+$0x0], $0xffff;
	[tilespmem:s6+$0x20] =	vst v18  }
0x297: {  	[tilespmem:s6+$0xFFFFFFF0] =	vst v19;
	v18 =	vld.idx.msk [tilespmem:v8+s18+$0x0], $0xffff  }
0x298: {  	v12 =	vld.idx.msk [tilespmem:v12+s19+$0x0], $0xffff;
	[tilespmem:s6+$0x30] =	vst v23  }
0x299: {  	[tilespmem:s29+$0xFFFFFFC0] =	vst v20;
	v14 =	vld.idx.msk [tilespmem:v14+s19+$0x0], $0xffff  }
0x29a: {  	v19 =	vld.idx.msk [tilespmem:v16+s18+$0x0], $0xffff;
	[tilespmem:s6+$0x10] =	vst v21  }
0x29b: {  	[tilespmem:s6+$0xFFFFFFE0] =	vst v22;
	v15 =	vld.idx.msk [tilespmem:v15+s19+$0x0], $0xffff  }
0x29c: {  	[tilespmem:s6+$0xFFFFFFD0] =	vst v17;
	v11 =	vld.idx.msk [tilespmem:v11+s19+$0x0], $0xffff  }
0x29d: {  	v9 =	vld.idx.msk [tilespmem:v9+s19+$0x0], $0xffff;
	[tilespmem:s6+$0x0] =	vst v18  }
0x29e: {  	v8 =	vld.idx.msk [tilespmem:v8+s19+$0x0], $0xffff;
	[tilespmem:s8+$0x20] =	vst v12  }
0x29f: {  	v10 =	vld.idx.msk [tilespmem:v10+s19+$0x0], $0xffff;
	[tilespmem:s8+$0xFFFFFFF0] =	vst v14  }
0x2a0: {  	[tilespmem:s6+$0xFFFFFFC0] =	vst v19;
	v12 =	vld.idx.msk [tilespmem:v1+s2+$0x0], $0xffff  }
0x2a1: {  	v14 =	vld.idx.msk [tilespmem:v16+s19+$0x0], $0xffff;
	[tilespmem:s8+$0x30] =	vst v15  }
0x2a2: {  	[tilespmem:s8+$0x10] =	vst v11;
	v11 =	vld.idx.msk [tilespmem:v4+s2+$0x0], $0xffff  }
0x2a3: {  	[tilespmem:s8+$0xFFFFFFD0] =	vst v9;
	v9 =	vld.idx.msk [tilespmem:v13+s2+$0x0], $0xffff  }
0x2a4: {  	v15 =	vld.idx.msk [tilespmem:v6+s2+$0x0], $0xffff;
	[tilespmem:s8+$0x0] =	vst v8  }
0x2a5: {  	[tilespmem:s8+$0xFFFFFFE0] =	vst v10;
	v8 =	vld.idx.msk [tilespmem:v7+s2+$0x0], $0xffff  }
0x2a6: {  	v10 =	vld.idx.msk [tilespmem:v5+s2+$0x0], $0xffff;
	[tilespmem:s0+$0xFFFFFFF0] =	vst v12  }
0x2a7: {  	[tilespmem:s8+$0xFFFFFFC0] =	vst v14;
	v12 =	vld.idx.msk [tilespmem:v2+s2+$0x0], $0xffff  }
0x2a8: {  	v14 =	vld.idx.msk [tilespmem:v3+s2+$0x0], $0xffff;
	[tilespmem:s0+$0x30] =	vst v11  }
0x2a9: {  	[tilespmem:s0+$0x10] =	vst v9;
	v9 =	vld.idx.msk [tilespmem:v4+s18+$0x0], $0xffff  }
0x2aa: {  	[tilespmem:s0+$0xFFFFFFD0] =	vst v15;
	v11 =	vld.idx.msk [tilespmem:v13+s18+$0x0], $0xffff  }
0x2ab: {  	v15 =	vld.idx.msk [tilespmem:v6+s18+$0x0], $0xffff;
	[tilespmem:s0+$0x0] =	vst v8  }
0x2ac: {  	[tilespmem:s0+$0xFFFFFFE0] =	vst v10;
	v16 =	vld.idx.msk [tilespmem:v7+s18+$0x0], $0xffff  }
0x2ad: {  	v17 =	vld.idx.msk [tilespmem:v5+s18+$0x0], $0xffff;
	[tilespmem:s0+$0x20] =	vst v12  }
0x2ae: {  	[tilespmem:s0+$0xFFFFFFC0] =	vst v14;
	v12 =	vld.idx.msk [tilespmem:v2+s18+$0x0], $0xffff  }
0x2af: {  	v10 =	vld.idx.msk [tilespmem:v3+s18+$0x0], $0xffff;
	[tilespmem:s3+$0x30] =	vst v9  }
.Ltmp3:
0x2b0: {  	[tilespmem:s3+$0x10] =	vst v11;
	v4 =	vld.idx.msk [tilespmem:v4+s19+$0x0], $0xffff;
	(pc) =	sbr.rel @p0 .LBB2_8-.Ltmp3, $4  }
0x2b1: {  	[tilespmem:s3+$0xFFFFFFD0] =	vst v15;
	v8 =	vld.idx.msk [tilespmem:v13+s19+$0x0], $0xffff  }
0x2b2: {  	v9 =	vld.idx.msk [tilespmem:v6+s19+$0x0], $0xffff;
	[tilespmem:s3+$0x0] =	vst v16  }
0x2b3: {  	s4 =	sadd.s32 $0x80, s4;
	s0 =	sadd.s32 $0x80, s0;
	s3 =	sadd.s32 $0x80, s3;
	[tilespmem:s30+$0xFFFFFFE0] =	vst v17;
	v6 =	vld.idx.msk [tilespmem:v7+s19+$0x0], $0xffff  }
0x2b4: {  	s5 =	sadd.s32 $0x80, s5;
	s6 =	sadd.s32 $0x80, s6;
	s8 =	sadd.s32 $0x80, s8;
	v5 =	vld.idx.msk [tilespmem:v5+s19+$0x0], $0xffff;
	[tilespmem:s30+$0x20] =	vst v12  }
0x2b5: {  	_ =	sdelay $0x3  }
0x2b6: {  	v7 =	vld.idx.msk [tilespmem:v1+s18+$0x0], $0xffff;
	_ =	sdelay $0x1  }
0x2b7: {  	[tilespmem:s30+$0xFFFFFFC0] =	vst v10  }
0x2b8: {  	[tilespmem:s31+$0x30] =	vst v4  }
0x2b9: {  	v2 =	vld.idx.msk [tilespmem:v2+s19+$0x0], $0xffff;
	[tilespmem:s31+$0x10] =	vst v8  }
0x2ba: {  	v3 =	vld.idx.msk [tilespmem:v3+s19+$0x0], $0xffff;
	[tilespmem:s30+$0xFFFFFFF0] =	vst v7  }
0x2bb: {  	[tilespmem:s31+$0xFFFFFFD0] =	vst v9;
	v1 =	vld.idx.msk [tilespmem:v1+s19+$0x0], $0xffff  }
0x2bc: {  	[tilespmem:s31+$0x0] =	vst v6  }
0x2bd: {  	[tilespmem:s31+$0xFFFFFFE0] =	vst v5  }
0x2be: {  	[tilespmem:s31+$0x20] =	vst v2  }
0x2bf: {  	[tilespmem:s31+$0xFFFFFFC0] =	vst v3  }
0x2c0: {  	[tilespmem:s31+$0xFFFFFFF0] =	vst v1  }
0x2c1: {  	v1 =	vld.idx.msk [tilespmem:v0+s2+$0x0], $0xffff;
	_ =	sdelay $0x4  }
0x2c2: {  	[tilespmem:$0xC500] =	vst v1  }
0x2c3: {  	v1 =	vld.idx.msk [tilespmem:v0+s18+$0x0], $0xffff;
	_ =	sdelay $0x3  }
0x2c4: {  	v2 =	vld [tilespmem:$0x9D80]  }
0x2c5: {  	[tilespmem:$0xEC80] =	vst v1  }
0x2c6: {  	v1 =	vld.idx.msk [tilespmem:v0+s19+$0x0], $0xffff;
	_ =	sdelay $0x4  }
0x2c7: {  	[tilespmem:$0x11400] =	vst v1  }
0x2c8: {  	v1 =	vld.idx.msk [tilespmem:v2+s2+$0x0], $0xffff;
	_ =	sdelay $0x4  }
0x2c9: {  	[tilespmem:$0x13B80] =	vst v1  }
0x2ca: {  	v1 =	vld.idx.msk [tilespmem:v2+s18+$0x0], $0xffff;
	_ =	sdelay $0x4  }
0x2cb: {  	[tilespmem:$0x16300] =	vst v1  }
0x2cc: {  	v1 =	vld.idx.msk [tilespmem:v2+s19+$0x0], $0xffff;
	_ =	sdelay $0x2  }
0x2cd: {  	s0 =	sld [smem:$0x7F9];
	_ =	sdelay $0x1  }
0x2ce: {  	[tilespmem:$0x18A80] =	vst v1  }
0x2cf: {  	[hbm4b:s0+s2] =	stream.linear.scatter [tilespmem:s20], [sflag:$0x1], $0x2710, $0x38;
	[tilespmem:$0x18B00] =	vst v63  }
0x2d0: {  	_ =	swait.ge [sflag:s17], $0x2710  }
0x2d1: {  	s13 =	sld [smem:$0x7FA]  }
0x2d2: {  	[sflag:s17] =	ssyncset.done $0x0  }
0x2d3: {  	[sflag:s17] =	ssyncadd.s32 $0xFFFFD8F0  }
0x2d4: {  	[hbm4b:s13+s2] =	stream.linear.scatter [tilespmem:s22], [sflag:$0x1], $0x2710, $0x38;
	[tilespmem:$0x18B00] =	vst v63  }
0x2d5: {  	_ =	swait.ge [sflag:s17], $0x2710  }
0x2d6: {  	s14 =	sld [smem:$0x7FB]  }
0x2d7: {  	[sflag:s17] =	ssyncset.done $0x0  }
0x2d8: {  	[sflag:s17] =	ssyncadd.s32 $0xFFFFD8F0  }
0x2d9: {  	[hbm4b:s14+s2] =	stream.linear.scatter [tilespmem:s23], [sflag:$0x1], $0x2710, $0x38;
	[tilespmem:$0x18B00] =	vst v63  }
0x2da: {  	_ =	swait.ge [sflag:s17], $0x2710  }
0x2db: {  	s29 =	sld [smem:$0x7FC]  }
0x2dc: {  	[sflag:s17] =	ssyncset.done $0x0  }
0x2dd: {  	[sflag:s17] =	ssyncadd.s32 $0xFFFFD8F0  }
0x2de: {  	[hbm4b:s29+s2] =	stream.linear.scatter [tilespmem:s24], [sflag:$0x1], $0x2710, $0x38;
	[tilespmem:$0x18B00] =	vst v63  }
0x2df: {  	_ =	swait.ge [sflag:s17], $0x2710  }
0x2e0: {  	s30 =	sld [smem:$0x7FD]  }
0x2e1: {  	[sflag:s17] =	ssyncset.done $0x0  }
0x2e2: {  	[sflag:s17] =	ssyncadd.s32 $0xFFFFD8F0  }
0x2e3: {  	[hbm4b:s30+s2] =	stream.linear.scatter [tilespmem:s25], [sflag:$0x1], $0x2710, $0x38;
	[tilespmem:$0x18B00] =	vst v63  }
0x2e4: {  	_ =	swait.ge [sflag:s17], $0x2710  }
0x2e5: {  	[sflag:s17] =	ssyncset.done $0x0  }
0x2e6: {  	[sflag:s17] =	ssyncadd.s32 $0xFFFFD8F0  }
0x2e7: {  	[hbm4b:s15+s2] =	stream.linear.scatter [tilespmem:s26], [sflag:$0x1], $0x2710, $0x38;
	[tilespmem:$0x18B00] =	vst v63  }
0x2e8: {  	_ =	swait.ge [sflag:s17], $0x2710  }
0x2e9: {  	s28 =	sadd.s32 $0x1, s28;
	s31 =	rddreg [dreg:$0x16]  }
0x2ea: {  	p0 =	sne.s32 s28, s31  }
.Ltmp4:
0x2eb: {  	_ = 	snop;
	(pc) =	sbr.rel @p0 .LBB2_1-.Ltmp4, $3  }
0x2ec: {  	_ =	sdelay $0x1  }
0x2ed: {  	[sflag:s17] =	ssyncset.done $0x0  }
0x2ee: {  	[sflag:s17] =	ssyncadd.s32 $0xFFFFD8F0  }
0x2ef: {  	_ =	sfence.sel $0x180000  }
0x2f0: {  	[bflag:$0x0] =	sbarrier.arrive $0xFFFF  }
0x2f1: {  	_ =	strace $0x90000047  }
0x2f2: {  	s0 =	stileid.u32;
	[bflag:$0x2] =	sbarrier.arrive $0xFFFF  }
0x2f3: {  	p0 =	sne.s32 s0, $0x0;
	s0 =	rddreg [dreg:$0x2]  }
0x2f4: {  	s0 =	sadd.s32 @!p0 $0x100000, s0  }
0x2f5: {  	[sflag:s0] =	ssyncadd.tile.s32 @!p0 $0x1;
	_ =	shalt  }
.Lfunc_end2:
_tile_overlayer_lowered:
.L_overlay_start_2:
0x2f6: {  	(tag) =	ssettag $0x2  }
0x2f7: {  	s0 =	rddreg [dreg:$0x0];
	s2 =	stileid.u32  }
0x2f8: {  	s1 =	rddreg [dreg:$0x1];
	p0 =	sne.s32 s2, $0x0  }
0x2f9: {  	s3 =	rddreg [dreg:$0x2];
	[bflag:$0x3] =	sbarrier.arrive $0xFFFF;
	s2 =	simm.s32 @!p0 $0x1C01  }
0x2fa: {  	[timem:s3], [sflag:s2] =	dma.local @!p0 [hbm:s0], s1  }
0x2fb: {  	s0 =	simm.s32 @!p0 $0x1  }
0x2fc: {  	_ =	swait.ge @!p0 [sflag:s0], s1  }
0x2fd: {  	s1 =	ssub.s32 @!p0 $0x0, s1;
	[sflag:s0] =	ssyncset.done @!p0 $0x0  }
0x2fe: {  	[sflag:s0] =	ssyncadd.s32 @!p0 s1  }
0x2ff: {  	[bflag:$0x3] =	sbarrier.arrive $0xFFFF  }
0x300: {  	_ =	shalt  }

</sc_bundles>
